<compile_context>
chip_gen: v7x
topology: tpu7x:2x2x1
jax: 0.10.2.dev20260603
libtpu: 0.0.44.dev20260713+nightly
codegen_flags: <defaults>
</compile_context>

<pallas_src>
import functools

import jax
import jax.numpy as jnp
from jax import lax
from jax.experimental import pallas as pl
from jax.experimental.pallas import tpu as pltpu
from jax.experimental.pallas import tpu_sc as plsc

C = 5
D = 101
EPS = 1e-06
WMSE = 1.0
WMID = 1.0
GAMMA = 5.0
TAUGATE = 0.05
GATETEMP = 0.11

N = 16384
NC, NS, L = 2, 16, 16
NW = NC * NS
EPW = N // NW
CHUNKS = EPW // L
SEC = 512
TBL = 3 * SEC


DCH = (D + L - 1) // L


def _sc_body(score_hbm, y_hbm, ids_hbm, alpha_hbm, part_hbm,
             s_v, y_v, id_v, al_v, en_v, acc, asem, dsem):
    wid = lax.axis_index("s") * NC + lax.axis_index("c")
    base = wid * EPW
    acp = pltpu.async_copy(alpha_hbm, al_v, asem)
    scp = pltpu.async_copy(score_hbm.at[pl.ds(base, EPW)], s_v, dsem)
    ycp = pltpu.async_copy(y_hbm.at[pl.ds(base, EPW)], y_v, dsem)
    icp = pltpu.async_copy(ids_hbm.at[pl.ds(base, EPW)], id_v, dsem)

    zeros = jnp.zeros((L,), jnp.float32)

    @plsc.parallel_loop(0, TBL // L, unroll=4)
    def _zero_loop(i):
        acc[pl.ds(i * L, L)] = zeros

    acp.wait()

    lane = lax.broadcasted_iota(jnp.int32, (L,), 0)

    @plsc.parallel_loop(0, DCH, unroll=2)
    def _theta_loop(c):
        d = jnp.minimum(c * L + lane, D - 1)
        dflat = d * (C - 1)
        e = jnp.exp(-plsc.load_gather(al_v, [dflat]))
        plsc.store_scatter(en_v, [dflat], e)
        for j in range(1, C - 1):
            x = plsc.load_gather(al_v, [dflat + j])
            g = jnp.exp(-jnp.maximum(x, 0.0)) / (1.0 + jnp.exp(-jnp.abs(x)))
            e = e * g
            plsc.store_scatter(en_v, [dflat + j], e)

    scp.wait()
    ycp.wait()
    icp.wait()

    inv_temp = 1.0 / GATETEMP

    def body(c, mse_acc):
        off = c * L
        s = s_v[pl.ds(off, L)]
        yv = y_v[pl.ds(off, L)]
        d = id_v[pl.ds(off, L)]
        d = jnp.minimum(jnp.maximum(d, 0), D - 1)
        es = jnp.exp(s)
        dflat = d * (C - 1)
        F = []
        for j in range(C - 1):
            ej = plsc.load_gather(en_v, [dflat + j])
            F.append(1.0 / (1.0 + es * ej))
        p = [F[0]] + [F[j] - F[j - 1] for j in range(1, C - 1)] + [1.0 - F[C - 2]]
        p = [jnp.maximum(q, 0.0) for q in p]
        psum = p[0] + p[1] + p[2] + p[3] + p[4]
        rinv = 1.0 / jnp.maximum(psum, EPS)
        pe = []
        for q in p:
            q = q * rinv
            g = 1.0 / (1.0 + jnp.exp((TAUGATE - q) * inv_temp))
            z = jnp.maximum(q * g, EPS)
            z2 = z * z
            pe.append(z2 * z2 * z)
        esum = pe[0] + pe[1] + pe[2] + pe[3] + pe[4]
        r2 = 1.0 / jnp.maximum(esum, EPS)
        idx0 = d * C
        for k in range(C):
            w = pe[k] * r2
            ws = w * s
            idx = idx0 + k
            plsc.addupdate_scatter(acc, [idx], w)
            plsc.addupdate_scatter(acc, [idx + SEC], ws)
            plsc.addupdate_scatter(acc, [idx + 2 * SEC], ws * s)
        dd = s - yv
        return mse_acc + dd * dd

    mse = plsc.parallel_loop(
        0, CHUNKS, unroll=2, carry=jnp.zeros((L,), jnp.float32)
    )(functools.partial(body))
    sec = (lane >= 7).astype(jnp.int32) + (lane >= 14).astype(jnp.int32)
    plsc.addupdate_scatter(acc, [505 + lane + sec * (SEC - 7)], mse)

    pltpu.sync_copy(acc, part_hbm.at[wid])


_sc_call = pl.kernel(
    _sc_body,
    out_type=jax.ShapeDtypeStruct((NW, TBL), jnp.float32),
    mesh=plsc.VectorSubcoreMesh(
        core_axis_name="c", subcore_axis_name="s",
        num_cores=NC, num_subcores=NS,
    ),
    compiler_params=pltpu.CompilerParams(needs_layout_passes=False),
    scratch_types=[
        pltpu.VMEM((EPW,), jnp.float32),
        pltpu.VMEM((EPW,), jnp.float32),
        pltpu.VMEM((EPW,), jnp.int32),
        pltpu.VMEM((D * (C - 1),), jnp.float32),
        pltpu.VMEM((D * (C - 1),), jnp.float32),
        pltpu.VMEM((TBL,), jnp.float32),
        pltpu.SemaphoreType.DMA,
        pltpu.SemaphoreType.DMA,
    ],
)


def _final_body(part_ref, out_ref):
    t = jnp.sum(part_ref[...], axis=0)
    t3 = jnp.reshape(t, (3, SEC))
    valid = (lax.broadcasted_iota(jnp.int32, (1, SEC), 1) < D * C)
    m = jnp.where(valid, t3[0:1, :], 0.0)
    sw = jnp.where(valid, t3[1:2, :], 0.0)
    s2 = jnp.where(valid, t3[2:3, :], 0.0)
    mu = sw / jnp.maximum(m, EPS)
    num = s2 - 2.0 * mu * sw + mu * mu * m
    lmid = jnp.sum(num) / jnp.maximum(jnp.sum(m), EPS)
    mse = jnp.sum(jnp.where(valid, 0.0, t3)) / N
    out_ref[...] = jnp.reshape(WMSE * mse + WMID * lmid, (1, 1))


_final_call = pl.pallas_call(
    _final_body,
    out_shape=jax.ShapeDtypeStruct((1, 1), jnp.float32),
)


def kernel(score, y_cont, departement_ids, alpha):
    s = score.reshape(-1).astype(jnp.float32)
    y = y_cont.reshape(-1).astype(jnp.float32)
    ids = departement_ids.reshape(-1).astype(jnp.int32)
    al = alpha.reshape(-1).astype(jnp.float32)
    part = _sc_call(s, y, ids, al)
    return _final_call(part)[0, 0]

# --- scband reference (transcript-rebuilt; emitter-appended) ---
"""Pipeline reference for scband-msetheta-loss-22179211116762 (READ-ONLY COPY).

The authoritative reference and input builder live on the scoring server;
editing this copy changes nothing except your own understanding.
"""

import jax, jax.numpy as jnp
import numpy as np

C = 5
D = 101
EPS = 1e-06
WMSE = 1.0
WMID = 1.0
GAMMA = 5.0
TAUGATE = 0.05
GATETEMP = 0.11


def setup_inputs(seed: int = 0) -> dict:
    key = jax.random.key(seed)
    k1, k2, k3, k4 = jax.random.split(key, 4)
    N = 16384
    score = jax.random.normal(k1, (N,), dtype=jnp.float32)
    y_cont = jax.random.uniform(k2, (N,), dtype=jnp.float32)
    departement_ids = jax.random.randint(k3, (N,), 0, D).astype(jnp.int64)
    # learned per-department ordinal thresholds parameter alpha[D, C-1]
    alpha = 0.1 * jax.random.normal(k4, (D, C - 1), dtype=jnp.float32)
    return {"score": score, "y_cont": y_cont, "departement_ids": departement_ids, "alpha": alpha}


def _compute_thresholds(alpha):
    # theta0 = alpha[:,0]; theta_j = theta_{j-1} + softplus(alpha[:,j])
    theta0 = alpha[:, 0:1]
    if alpha.shape[1] > 1:
        incr = jax.nn.softplus(alpha[:, 1:])
        theta = jnp.cumsum(jnp.concatenate([theta0, incr], axis=1), axis=1)
    else:
        theta = theta0
    return theta


def _class_probs_from_score(s, theta, ids):
    thr = jnp.take(theta, ids, axis=0)  # [N, C-1]
    Fk = jax.nn.sigmoid(thr - s[:, None])
    p = jnp.concatenate([Fk[:, 0:1], Fk[:, 1:] - Fk[:, :-1], 1.0 - Fk[:, -1:]], axis=1)
    p = jnp.nan_to_num(p, nan=EPS, posinf=1.0, neginf=0.0)
    p = jnp.maximum(p, 0.0)
    p = p / jnp.maximum(jnp.sum(p, axis=1, keepdims=True), EPS)
    return p


def reference(score, y_cont, departement_ids, alpha):
    s = score.reshape(-1).astype(jnp.float32)
    y = y_cont.reshape(-1).astype(jnp.float32)
    ids = jnp.clip(departement_ids.reshape(-1).astype(jnp.int32), 0, D - 1)

    theta = _compute_thresholds(alpha)
    p = _class_probs_from_score(s, theta, ids)

    # soft gating + sharpening (gamma) as in _score_centers_soft
    gate = jax.nn.sigmoid((p - TAUGATE) / max(GATETEMP, 1e-06))
    p_eff = p * gate
    p_eff = jnp.power(jnp.maximum(p_eff, EPS), GAMMA)
    p_eff = p_eff / jnp.maximum(jnp.sum(p_eff, axis=1, keepdims=True), EPS)

    # per-department per-class score centers (scatter-add / segment_sum)
    m_k = jax.ops.segment_sum(p_eff, ids, num_segments=D)              # [D, C]
    sum_wy = jax.ops.segment_sum(p_eff * s[:, None], ids, num_segments=D)
    mu_hat = sum_wy / jnp.maximum(m_k, EPS)                            # [D, C]
    mu_hat = jax.lax.stop_gradient(mu_hat)  # mid_detach_mu=True

    mu_i = jnp.take(mu_hat, ids, axis=0)                               # [N, C]
    lmid = jnp.sum(p_eff * (s[:, None] - mu_i) ** 2) / jnp.maximum(jnp.sum(p_eff), EPS)

    mse = jnp.mean((s - y) ** 2)
    total = WMSE * mse + WMID * lmid
    return total

if __name__ == "__main__":
    import jax
    _d = setup_inputs()
    print(jax.jit(kernel)(*tuple(_d.values())))

</pallas_src>

<mosaic_0001>
#map = affine_map<(d0, d1) -> (0)>
#map1 = affine_map<(d0, d1) -> (0, 0)>
module attributes {stable_mosaic.version = 14 : i64} {
  func.func @_sc_body(%arg0: i32, %arg1: i32, %arg2: memref<16384xf32, #tpu.memory_space<hbm>>, %arg3: memref<16384xf32, #tpu.memory_space<hbm>>, %arg4: memref<16384xi32, #tpu.memory_space<hbm>>, %arg5: memref<404xf32, #tpu.memory_space<hbm>>, %arg6: memref<32x1536xf32, #tpu.memory_space<hbm>>, %arg7: memref<512xf32, #tpu.memory_space<vmem>>, %arg8: memref<512xf32, #tpu.memory_space<vmem>>, %arg9: memref<512xi32, #tpu.memory_space<vmem>>, %arg10: memref<404xf32, #tpu.memory_space<vmem>>, %arg11: memref<404xf32, #tpu.memory_space<vmem>>, %arg12: memref<1536xf32, #tpu.memory_space<vmem>>, %arg13: memref<!tpu.dma_semaphore, #tpu.memory_space<semaphore_mem>>, %arg14: memref<!tpu.dma_semaphore, #tpu.memory_space<semaphore_mem>>) attributes {dimension_semantics = [#tpu.dimension_semantics<core_parallel>, #tpu.dimension_semantics<subcore_parallel>], iteration_bounds = array<i64: 2, 16>, scalar_prefetch = 0 : i64, scratch_operands = 8 : i64, tpu.core_type = #tpu.core_type<sc_vector_subcore>, window_params = [{transform_indices = #map}, {transform_indices = #map}, {transform_indices = #map}, {transform_indices = #map}, {transform_indices = #map1}]} {
    %mul3A = arith.constant 2 : i32
    %mul3A_0 = arith.muli %arg1, %mul3A : i32
    %add3A = arith.addi %mul3A_0, %arg0 : i32
    %mul3A_1 = arith.constant 512 : i32
    %mul3A_2 = arith.muli %add3A, %mul3A_1 : i32
    tpu.enqueue_dma source(%arg5 : memref<404xf32, #tpu.memory_space<hbm>>) target(%arg10 : memref<404xf32, #tpu.memory_space<vmem>>) target_semaphore(%arg13 : memref<!tpu.dma_semaphore, #tpu.memory_space<semaphore_mem>>)
    %dma_start3A = tpu.memref_slice %arg2[%mul3A_2] : memref<16384xf32, #tpu.memory_space<hbm>> -> memref<512xf32, #tpu.memory_space<hbm>>
    %dma_start3A_3 = tpu.memref_slice %arg2[%mul3A_2] : memref<16384xf32, #tpu.memory_space<hbm>> -> memref<512xf32, #tpu.memory_space<hbm>>
    tpu.enqueue_dma source(%dma_start3A_3 : memref<512xf32, #tpu.memory_space<hbm>>) target(%arg7 : memref<512xf32, #tpu.memory_space<vmem>>) target_semaphore(%arg14 : memref<!tpu.dma_semaphore, #tpu.memory_space<semaphore_mem>>)
    %dma_start3A_4 = tpu.memref_slice %arg3[%mul3A_2] : memref<16384xf32, #tpu.memory_space<hbm>> -> memref<512xf32, #tpu.memory_space<hbm>>
    %dma_start3A_5 = tpu.memref_slice %arg3[%mul3A_2] : memref<16384xf32, #tpu.memory_space<hbm>> -> memref<512xf32, #tpu.memory_space<hbm>>
    tpu.enqueue_dma source(%dma_start3A_5 : memref<512xf32, #tpu.memory_space<hbm>>) target(%arg8 : memref<512xf32, #tpu.memory_space<vmem>>) target_semaphore(%arg14 : memref<!tpu.dma_semaphore, #tpu.memory_space<semaphore_mem>>)
    %dma_start3A_6 = tpu.memref_slice %arg4[%mul3A_2] : memref<16384xi32, #tpu.memory_space<hbm>> -> memref<512xi32, #tpu.memory_space<hbm>>
    %dma_start3A_7 = tpu.memref_slice %arg4[%mul3A_2] : memref<16384xi32, #tpu.memory_space<hbm>> -> memref<512xi32, #tpu.memory_space<hbm>>
    tpu.enqueue_dma source(%dma_start3A_7 : memref<512xi32, #tpu.memory_space<hbm>>) target(%arg9 : memref<512xi32, #tpu.memory_space<vmem>>) target_semaphore(%arg14 : memref<!tpu.dma_semaphore, #tpu.memory_space<semaphore_mem>>)
    %broadcast_in_dim3A = arith.constant 0.000000e+00 : f32
    %broadcast_in_dim3A_8 = vector.broadcast %broadcast_in_dim3A : f32 to vector<16xf32>
    %parallel_loop3A = arith.constant 0 : i32
    %parallel_loop3A_9 = arith.constant 96 : i32
    %parallel_loop3A_10 = arith.constant 1 : i32
    scf.for %parallel_loop3A_39 = %parallel_loop3A to %parallel_loop3A_9 step %parallel_loop3A_10  : i32 {
      %parallel_loop3A_40 = arith.constant 16 : i32
      %parallel_loop3A_41 = arith.muli %parallel_loop3A_39, %parallel_loop3A_40 : i32
      %parallel_loop3A_42 = arith.index_cast %parallel_loop3A_41 : i32 to index
      %parallel_loop3A_43 = tpu.vector_load %arg12[%parallel_loop3A_42] {strides = array<i32>} : memref<1536xf32, #tpu.memory_space<vmem>>, vector<16xf32>,
      tpu.vector_store %arg12[%parallel_loop3A_42], %broadcast_in_dim3A_8 {strides = array<i32>} : memref<1536xf32, #tpu.memory_space<vmem>>, vector<16xf32>,
    } {sc.loop_unroll_factor = 4 : i64, sc.parallel_access}
    tpu.wait_dma2 semaphore(%arg13 : memref<!tpu.dma_semaphore, #tpu.memory_space<semaphore_mem>>) src(%arg5 : memref<404xf32, #tpu.memory_space<hbm>>) dst(%arg10 : memref<404xf32, #tpu.memory_space<vmem>>)
    %iota3A = tpu.iota {dimensions = array<i32: 0>} : vector<16xi32>
    %parallel_loop3A_11 = arith.constant 0 : i32
    %parallel_loop3A_12 = arith.constant 7 : i32
    %parallel_loop3A_13 = arith.constant 1 : i32
    scf.for %parallel_loop3A_39 = %parallel_loop3A_11 to %parallel_loop3A_12 step %parallel_loop3A_13  : i32 {
      %parallel_loop3A_40 = arith.constant 16 : i32
      %parallel_loop3A_41 = arith.muli %parallel_loop3A_39, %parallel_loop3A_40 : i32
      %parallel_loop3A_42 = vector.broadcast %parallel_loop3A_41 : i32 to vector<16xi32>
      %parallel_loop3A_43 = arith.addi %parallel_loop3A_42, %iota3A : vector<16xi32>
      %parallel_loop3A_44 = arith.constant 100 : i32
      %parallel_loop3A_45 = vector.broadcast %parallel_loop3A_44 : i32 to vector<16xi32>
      %parallel_loop3A_46 = arith.minsi %parallel_loop3A_43, %parallel_loop3A_45 : vector<16xi32>
      %parallel_loop3A_47 = arith.constant 4 : i32
      %parallel_loop3A_48 = vector.broadcast %parallel_loop3A_47 : i32 to vector<16xi32>
      %parallel_loop3A_49 = arith.muli %parallel_loop3A_46, %parallel_loop3A_48 : vector<16xi32>
      %parallel_loop3A_50 = tpu.vector_load_idx %arg10[%parallel_loop3A_49] : memref<404xf32, #tpu.memory_space<vmem>>[vector<16xi32>], vector<16xf32>,
      %parallel_loop3A_51 = arith.constant 0.000000e+00 : f32
      %parallel_loop3A_52 = vector.broadcast %parallel_loop3A_51 : f32 to vector<16xf32>
      %parallel_loop3A_53 = arith.subf %parallel_loop3A_52, %parallel_loop3A_50 : vector<16xf32>
      %parallel_loop3A_54 = math.exp %parallel_loop3A_53 : vector<16xf32>
      tpu.vector_store_idx %arg11[%parallel_loop3A_49], %parallel_loop3A_54 : memref<404xf32, #tpu.memory_space<vmem>>[vector<16xi32>], vector<16xf32>,
      %parallel_loop3A_55 = arith.constant 1 : i32
      %parallel_loop3A_56 = vector.broadcast %parallel_loop3A_55 : i32 to vector<16xi32>
      %parallel_loop3A_57 = arith.addi %parallel_loop3A_49, %parallel_loop3A_56 : vector<16xi32>
      %parallel_loop3A_58 = tpu.vector_load_idx %arg10[%parallel_loop3A_57] : memref<404xf32, #tpu.memory_space<vmem>>[vector<16xi32>], vector<16xf32>,
      %parallel_loop3A_59 = arith.constant 0.000000e+00 : f32
      %parallel_loop3A_60 = vector.broadcast %parallel_loop3A_59 : f32 to vector<16xf32>
      %parallel_loop3A_61 = arith.maximumf %parallel_loop3A_58, %parallel_loop3A_60 : vector<16xf32>
      %parallel_loop3A_62 = arith.constant 0.000000e+00 : f32
      %parallel_loop3A_63 = vector.broadcast %parallel_loop3A_62 : f32 to vector<16xf32>
      %parallel_loop3A_64 = arith.subf %parallel_loop3A_63, %parallel_loop3A_61 : vector<16xf32>
      %parallel_loop3A_65 = math.exp %parallel_loop3A_64 : vector<16xf32>
      %parallel_loop3A_66 = math.absf %parallel_loop3A_58 : vector<16xf32>
      %parallel_loop3A_67 = arith.constant 0.000000e+00 : f32
      %parallel_loop3A_68 = vector.broadcast %parallel_loop3A_67 : f32 to vector<16xf32>
      %parallel_loop3A_69 = arith.subf %parallel_loop3A_68, %parallel_loop3A_66 : vector<16xf32>
      %parallel_loop3A_70 = math.exp %parallel_loop3A_69 : vector<16xf32>
      %parallel_loop3A_71 = arith.constant 1.000000e+00 : f32
      %parallel_loop3A_72 = vector.broadcast %parallel_loop3A_71 : f32 to vector<16xf32>
      %parallel_loop3A_73 = arith.addf %parallel_loop3A_72, %parallel_loop3A_70 : vector<16xf32>
      %parallel_loop3A_74 = arith.divf %parallel_loop3A_65, %parallel_loop3A_73 : vector<16xf32>
      %parallel_loop3A_75 = arith.mulf %parallel_loop3A_54, %parallel_loop3A_74 : vector<16xf32>
      %parallel_loop3A_76 = arith.constant 1 : i32
      %parallel_loop3A_77 = vector.broadcast %parallel_loop3A_76 : i32 to vector<16xi32>
      %parallel_loop3A_78 = arith.addi %parallel_loop3A_49, %parallel_loop3A_77 : vector<16xi32>
      tpu.vector_store_idx %arg11[%parallel_loop3A_78], %parallel_loop3A_75 : memref<404xf32, #tpu.memory_space<vmem>>[vector<16xi32>], vector<16xf32>,
      %parallel_loop3A_79 = arith.constant 2 : i32
      %parallel_loop3A_80 = vector.broadcast %parallel_loop3A_79 : i32 to vector<16xi32>
      %parallel_loop3A_81 = arith.addi %parallel_loop3A_49, %parallel_loop3A_80 : vector<16xi32>
      %parallel_loop3A_82 = tpu.vector_load_idx %arg10[%parallel_loop3A_81] : memref<404xf32, #tpu.memory_space<vmem>>[vector<16xi32>], vector<16xf32>,
      %parallel_loop3A_83 = arith.constant 0.000000e+00 : f32
      %parallel_loop3A_84 = vector.broadcast %parallel_loop3A_83 : f32 to vector<16xf32>
      %parallel_loop3A_85 = arith.maximumf %parallel_loop3A_82, %parallel_loop3A_84 : vector<16xf32>
      %parallel_loop3A_86 = arith.constant 0.000000e+00 : f32
      %parallel_loop3A_87 = vector.broadcast %parallel_loop3A_86 : f32 to vector<16xf32>
      %parallel_loop3A_88 = arith.subf %parallel_loop3A_87, %parallel_loop3A_85 : vector<16xf32>
      %parallel_loop3A_89 = math.exp %parallel_loop3A_88 : vector<16xf32>
      %parallel_loop3A_90 = math.absf %parallel_loop3A_82 : vector<16xf32>
      %parallel_loop3A_91 = arith.constant 0.000000e+00 : f32
      %parallel_loop3A_92 = vector.broadcast %parallel_loop3A_91 : f32 to vector<16xf32>
      %parallel_loop3A_93 = arith.subf %parallel_loop3A_92, %parallel_loop3A_90 : vector<16xf32>
      %parallel_loop3A_94 = math.exp %parallel_loop3A_93 : vector<16xf32>
      %parallel_loop3A_95 = arith.constant 1.000000e+00 : f32
      %parallel_loop3A_96 = vector.broadcast %parallel_loop3A_95 : f32 to vector<16xf32>
      %parallel_loop3A_97 = arith.addf %parallel_loop3A_96, %parallel_loop3A_94 : vector<16xf32>
      %parallel_loop3A_98 = arith.divf %parallel_loop3A_89, %parallel_loop3A_97 : vector<16xf32>
      %parallel_loop3A_99 = arith.mulf %parallel_loop3A_75, %parallel_loop3A_98 : vector<16xf32>
      %parallel_loop3A_100 = arith.constant 2 : i32
      %parallel_loop3A_101 = vector.broadcast %parallel_loop3A_100 : i32 to vector<16xi32>
      %parallel_loop3A_102 = arith.addi %parallel_loop3A_49, %parallel_loop3A_101 : vector<16xi32>
      tpu.vector_store_idx %arg11[%parallel_loop3A_102], %parallel_loop3A_99 : memref<404xf32, #tpu.memory_space<vmem>>[vector<16xi32>], vector<16xf32>,
      %parallel_loop3A_103 = arith.constant 3 : i32
      %parallel_loop3A_104 = vector.broadcast %parallel_loop3A_103 : i32 to vector<16xi32>
      %parallel_loop3A_105 = arith.addi %parallel_loop3A_49, %parallel_loop3A_104 : vector<16xi32>
      %parallel_loop3A_106 = tpu.vector_load_idx %arg10[%parallel_loop3A_105] : memref<404xf32, #tpu.memory_space<vmem>>[vector<16xi32>], vector<16xf32>,
      %parallel_loop3A_107 = arith.constant 0.000000e+00 : f32
      %parallel_loop3A_108 = vector.broadcast %parallel_loop3A_107 : f32 to vector<16xf32>
      %parallel_loop3A_109 = arith.maximumf %parallel_loop3A_106, %parallel_loop3A_108 : vector<16xf32>
      %parallel_loop3A_110 = arith.constant 0.000000e+00 : f32
      %parallel_loop3A_111 = vector.broadcast %parallel_loop3A_110 : f32 to vector<16xf32>
      %parallel_loop3A_112 = arith.subf %parallel_loop3A_111, %parallel_loop3A_109 : vector<16xf32>
      %parallel_loop3A_113 = math.exp %parallel_loop3A_112 : vector<16xf32>
      %parallel_loop3A_114 = math.absf %parallel_loop3A_106 : vector<16xf32>
      %parallel_loop3A_115 = arith.constant 0.000000e+00 : f32
      %parallel_loop3A_116 = vector.broadcast %parallel_loop3A_115 : f32 to vector<16xf32>
      %parallel_loop3A_117 = arith.subf %parallel_loop3A_116, %parallel_loop3A_114 : vector<16xf32>
      %parallel_loop3A_118 = math.exp %parallel_loop3A_117 : vector<16xf32>
      %parallel_loop3A_119 = arith.constant 1.000000e+00 : f32
      %parallel_loop3A_120 = vector.broadcast %parallel_loop3A_119 : f32 to vector<16xf32>
      %parallel_loop3A_121 = arith.addf %parallel_loop3A_120, %parallel_loop3A_118 : vector<16xf32>
      %parallel_loop3A_122 = arith.divf %parallel_loop3A_113, %parallel_loop3A_121 : vector<16xf32>
      %parallel_loop3A_123 = arith.mulf %parallel_loop3A_99, %parallel_loop3A_122 : vector<16xf32>
      %parallel_loop3A_124 = arith.constant 3 : i32
      %parallel_loop3A_125 = vector.broadcast %parallel_loop3A_124 : i32 to vector<16xi32>
      %parallel_loop3A_126 = arith.addi %parallel_loop3A_49, %parallel_loop3A_125 : vector<16xi32>
      tpu.vector_store_idx %arg11[%parallel_loop3A_126], %parallel_loop3A_123 : memref<404xf32, #tpu.memory_space<vmem>>[vector<16xi32>], vector<16xf32>,
    } {sc.loop_unroll_factor = 2 : i64, sc.parallel_access}
    %dma_wait3A = tpu.memref_slice %arg2[%mul3A_2] : memref<16384xf32, #tpu.memory_space<hbm>> -> memref<512xf32, #tpu.memory_space<hbm>>
    %dma_wait3A_14 = tpu.memref_slice %arg2[%mul3A_2] : memref<16384xf32, #tpu.memory_space<hbm>> -> memref<512xf32, #tpu.memory_space<hbm>>
    tpu.wait_dma2 semaphore(%arg14 : memref<!tpu.dma_semaphore, #tpu.memory_space<semaphore_mem>>) src(%dma_wait3A_14 : memref<512xf32, #tpu.memory_space<hbm>>) dst(%arg7 : memref<512xf32, #tpu.memory_space<vmem>>)
    %dma_wait3A_15 = tpu.memref_slice %arg3[%mul3A_2] : memref<16384xf32, #tpu.memory_space<hbm>> -> memref<512xf32, #tpu.memory_space<hbm>>
    %dma_wait3A_16 = tpu.memref_slice %arg3[%mul3A_2] : memref<16384xf32, #tpu.memory_space<hbm>> -> memref<512xf32, #tpu.memory_space<hbm>>
    tpu.wait_dma2 semaphore(%arg14 : memref<!tpu.dma_semaphore, #tpu.memory_space<semaphore_mem>>) src(%dma_wait3A_16 : memref<512xf32, #tpu.memory_space<hbm>>) dst(%arg8 : memref<512xf32, #tpu.memory_space<vmem>>)
    %dma_wait3A_17 = tpu.memref_slice %arg4[%mul3A_2] : memref<16384xi32, #tpu.memory_space<hbm>> -> memref<512xi32, #tpu.memory_space<hbm>>
    %dma_wait3A_18 = tpu.memref_slice %arg4[%mul3A_2] : memref<16384xi32, #tpu.memory_space<hbm>> -> memref<512xi32, #tpu.memory_space<hbm>>
    tpu.wait_dma2 semaphore(%arg14 : memref<!tpu.dma_semaphore, #tpu.memory_space<semaphore_mem>>) src(%dma_wait3A_18 : memref<512xi32, #tpu.memory_space<hbm>>) dst(%arg9 : memref<512xi32, #tpu.memory_space<vmem>>)
    %broadcast_in_dim3A_19 = arith.constant 0.000000e+00 : f32
    %broadcast_in_dim3A_20 = vector.broadcast %broadcast_in_dim3A_19 : f32 to vector<16xf32>
    %parallel_loop3A_21 = arith.constant 0 : i32
    %parallel_loop3A_22 = arith.constant 32 : i32
    %parallel_loop3A_23 = arith.constant 1 : i32
    %parallel_loop3A_24 = scf.for %parallel_loop3A_39 = %parallel_loop3A_21 to %parallel_loop3A_22 step %parallel_loop3A_23 iter_args(%parallel_loop3A_40 = %broadcast_in_dim3A_20) -> (vector<16xf32>)  : i32 {
      %parallel_loop3A_41 = arith.constant 16 : i32
      %parallel_loop3A_42 = arith.muli %parallel_loop3A_39, %parallel_loop3A_41 : i32
      %parallel_loop3A_43 = arith.index_cast %parallel_loop3A_42 : i32 to index
      %parallel_loop3A_44 = tpu.vector_load %arg7[%parallel_loop3A_43] {strides = array<i32>} : memref<512xf32, #tpu.memory_space<vmem>>, vector<16xf32>,
      %parallel_loop3A_45 = arith.index_cast %parallel_loop3A_42 : i32 to index
      %parallel_loop3A_46 = tpu.vector_load %arg8[%parallel_loop3A_45] {strides = array<i32>} : memref<512xf32, #tpu.memory_space<vmem>>, vector<16xf32>,
      %parallel_loop3A_47 = arith.index_cast %parallel_loop3A_42 : i32 to index
      %parallel_loop3A_48 = tpu.vector_load %arg9[%parallel_loop3A_47] {strides = array<i32>} : memref<512xi32, #tpu.memory_space<vmem>>, vector<16xi32>,
      %parallel_loop3A_49 = arith.constant 0 : i32
      %parallel_loop3A_50 = vector.broadcast %parallel_loop3A_49 : i32 to vector<16xi32>
      %parallel_loop3A_51 = arith.maxsi %parallel_loop3A_48, %parallel_loop3A_50 : vector<16xi32>
      %parallel_loop3A_52 = arith.constant 100 : i32
      %parallel_loop3A_53 = vector.broadcast %parallel_loop3A_52 : i32 to vector<16xi32>
      %parallel_loop3A_54 = arith.minsi %parallel_loop3A_51, %parallel_loop3A_53 : vector<16xi32>
      %parallel_loop3A_55 = math.exp %parallel_loop3A_44 : vector<16xf32>
      %parallel_loop3A_56 = arith.constant 4 : i32
      %parallel_loop3A_57 = vector.broadcast %parallel_loop3A_56 : i32 to vector<16xi32>
      %parallel_loop3A_58 = arith.muli %parallel_loop3A_54, %parallel_loop3A_57 : vector<16xi32>
      %parallel_loop3A_59 = arith.constant 0 : i32
      %parallel_loop3A_60 = vector.broadcast %parallel_loop3A_59 : i32 to vector<16xi32>
      %parallel_loop3A_61 = arith.addi %parallel_loop3A_58, %parallel_loop3A_60 : vector<16xi32>
      %parallel_loop3A_62 = tpu.vector_load_idx %arg11[%parallel_loop3A_61] : memref<404xf32, #tpu.memory_space<vmem>>[vector<16xi32>], vector<16xf32>,
      %parallel_loop3A_63 = arith.mulf %parallel_loop3A_55, %parallel_loop3A_62 : vector<16xf32>
      %parallel_loop3A_64 = arith.constant 1.000000e+00 : f32
      %parallel_loop3A_65 = vector.broadcast %parallel_loop3A_64 : f32 to vector<16xf32>
      %parallel_loop3A_66 = arith.addf %parallel_loop3A_65, %parallel_loop3A_63 : vector<16xf32>
      %parallel_loop3A_67 = arith.constant 1.000000e+00 : f32
      %parallel_loop3A_68 = vector.broadcast %parallel_loop3A_67 : f32 to vector<16xf32>
      %parallel_loop3A_69 = arith.divf %parallel_loop3A_68, %parallel_loop3A_66 : vector<16xf32>
      %parallel_loop3A_70 = arith.constant 1 : i32
      %parallel_loop3A_71 = vector.broadcast %parallel_loop3A_70 : i32 to vector<16xi32>
      %parallel_loop3A_72 = arith.addi %parallel_loop3A_58, %parallel_loop3A_71 : vector<16xi32>
      %parallel_loop3A_73 = tpu.vector_load_idx %arg11[%parallel_loop3A_72] : memref<404xf32, #tpu.memory_space<vmem>>[vector<16xi32>], vector<16xf32>,
      %parallel_loop3A_74 = arith.mulf %parallel_loop3A_55, %parallel_loop3A_73 : vector<16xf32>
      %parallel_loop3A_75 = arith.constant 1.000000e+00 : f32
      %parallel_loop3A_76 = vector.broadcast %parallel_loop3A_75 : f32 to vector<16xf32>
      %parallel_loop3A_77 = arith.addf %parallel_loop3A_76, %parallel_loop3A_74 : vector<16xf32>
      %parallel_loop3A_78 = arith.constant 1.000000e+00 : f32
      %parallel_loop3A_79 = vector.broadcast %parallel_loop3A_78 : f32 to vector<16xf32>
      %parallel_loop3A_80 = arith.divf %parallel_loop3A_79, %parallel_loop3A_77 : vector<16xf32>
      %parallel_loop3A_81 = arith.constant 2 : i32
      %parallel_loop3A_82 = vector.broadcast %parallel_loop3A_81 : i32 to vector<16xi32>
      %parallel_loop3A_83 = arith.addi %parallel_loop3A_58, %parallel_loop3A_82 : vector<16xi32>
      %parallel_loop3A_84 = tpu.vector_load_idx %arg11[%parallel_loop3A_83] : memref<404xf32, #tpu.memory_space<vmem>>[vector<16xi32>], vector<16xf32>,
      %parallel_loop3A_85 = arith.mulf %parallel_loop3A_55, %parallel_loop3A_84 : vector<16xf32>
      %parallel_loop3A_86 = arith.constant 1.000000e+00 : f32
      %parallel_loop3A_87 = vector.broadcast %parallel_loop3A_86 : f32 to vector<16xf32>
      %parallel_loop3A_88 = arith.addf %parallel_loop3A_87, %parallel_loop3A_85 : vector<16xf32>
      %parallel_loop3A_89 = arith.constant 1.000000e+00 : f32
      %parallel_loop3A_90 = vector.broadcast %parallel_loop3A_89 : f32 to vector<16xf32>
      %parallel_loop3A_91 = arith.divf %parallel_loop3A_90, %parallel_loop3A_88 : vector<16xf32>
      %parallel_loop3A_92 = arith.constant 3 : i32
      %parallel_loop3A_93 = vector.broadcast %parallel_loop3A_92 : i32 to vector<16xi32>
      %parallel_loop3A_94 = arith.addi %parallel_loop3A_58, %parallel_loop3A_93 : vector<16xi32>
      %parallel_loop3A_95 = tpu.vector_load_idx %arg11[%parallel_loop3A_94] : memref<404xf32, #tpu.memory_space<vmem>>[vector<16xi32>], vector<16xf32>,
      %parallel_loop3A_96 = arith.mulf %parallel_loop3A_55, %parallel_loop3A_95 : vector<16xf32>
      %parallel_loop3A_97 = arith.constant 1.000000e+00 : f32
      %parallel_loop3A_98 = vector.broadcast %parallel_loop3A_97 : f32 to vector<16xf32>
      %parallel_loop3A_99 = arith.addf %parallel_loop3A_98, %parallel_loop3A_96 : vector<16xf32>
      %parallel_loop3A_100 = arith.constant 1.000000e+00 : f32
      %parallel_loop3A_101 = vector.broadcast %parallel_loop3A_100 : f32 to vector<16xf32>
      %parallel_loop3A_102 = arith.divf %parallel_loop3A_101, %parallel_loop3A_99 : vector<16xf32>
      %parallel_loop3A_103 = arith.subf %parallel_loop3A_80, %parallel_loop3A_69 : vector<16xf32>
      %parallel_loop3A_104 = arith.subf %parallel_loop3A_91, %parallel_loop3A_80 : vector<16xf32>
      %parallel_loop3A_105 = arith.subf %parallel_loop3A_102, %parallel_loop3A_91 : vector<16xf32>
      %parallel_loop3A_106 = arith.constant 1.000000e+00 : f32
      %parallel_loop3A_107 = vector.broadcast %parallel_loop3A_106 : f32 to vector<16xf32>
      %parallel_loop3A_108 = arith.subf %parallel_loop3A_107, %parallel_loop3A_102 : vector<16xf32>
      %parallel_loop3A_109 = arith.constant 0.000000e+00 : f32
      %parallel_loop3A_110 = vector.broadcast %parallel_loop3A_109 : f32 to vector<16xf32>
      %parallel_loop3A_111 = arith.maximumf %parallel_loop3A_69, %parallel_loop3A_110 : vector<16xf32>
      %parallel_loop3A_112 = arith.constant 0.000000e+00 : f32
      %parallel_loop3A_113 = vector.broadcast %parallel_loop3A_112 : f32 to vector<16xf32>
      %parallel_loop3A_114 = arith.maximumf %parallel_loop3A_103, %parallel_loop3A_113 : vector<16xf32>
      %parallel_loop3A_115 = arith.constant 0.000000e+00 : f32
      %parallel_loop3A_116 = vector.broadcast %parallel_loop3A_115 : f32 to vector<16xf32>
      %parallel_loop3A_117 = arith.maximumf %parallel_loop3A_104, %parallel_loop3A_116 : vector<16xf32>
      %parallel_loop3A_118 = arith.constant 0.000000e+00 : f32
      %parallel_loop3A_119 = vector.broadcast %parallel_loop3A_118 : f32 to vector<16xf32>
      %parallel_loop3A_120 = arith.maximumf %parallel_loop3A_105, %parallel_loop3A_119 : vector<16xf32>
      %parallel_loop3A_121 = arith.constant 0.000000e+00 : f32
      %parallel_loop3A_122 = vector.broadcast %parallel_loop3A_121 : f32 to vector<16xf32>
      %parallel_loop3A_123 = arith.maximumf %parallel_loop3A_108, %parallel_loop3A_122 : vector<16xf32>
      %parallel_loop3A_124 = arith.addf %parallel_loop3A_111, %parallel_loop3A_114 : vector<16xf32>
      %parallel_loop3A_125 = arith.addf %parallel_loop3A_124, %parallel_loop3A_117 : vector<16xf32>
      %parallel_loop3A_126 = arith.addf %parallel_loop3A_125, %parallel_loop3A_120 : vector<16xf32>
      %parallel_loop3A_127 = arith.addf %parallel_loop3A_126, %parallel_loop3A_123 : vector<16xf32>
      %parallel_loop3A_128 = arith.constant 9.99999997E-7 : f32
      %parallel_loop3A_129 = vector.broadcast %parallel_loop3A_128 : f32 to vector<16xf32>
      %parallel_loop3A_130 = arith.maximumf %parallel_loop3A_127, %parallel_loop3A_129 : vector<16xf32>
      %parallel_loop3A_131 = arith.constant 1.000000e+00 : f32
      %parallel_loop3A_132 = vector.broadcast %parallel_loop3A_131 : f32 to vector<16xf32>
      %parallel_loop3A_133 = arith.divf %parallel_loop3A_132, %parallel_loop3A_130 : vector<16xf32>
      %parallel_loop3A_134 = arith.mulf %parallel_loop3A_111, %parallel_loop3A_133 : vector<16xf32>
      %parallel_loop3A_135 = arith.constant 5.000000e-02 : f32
      %parallel_loop3A_136 = vector.broadcast %parallel_loop3A_135 : f32 to vector<16xf32>
      %parallel_loop3A_137 = arith.subf %parallel_loop3A_136, %parallel_loop3A_134 : vector<16xf32>
      %parallel_loop3A_138 = arith.constant 9.090909 : f32
      %parallel_loop3A_139 = vector.broadcast %parallel_loop3A_138 : f32 to vector<16xf32>
      %parallel_loop3A_140 = arith.mulf %parallel_loop3A_137, %parallel_loop3A_139 : vector<16xf32>
      %parallel_loop3A_141 = math.exp %parallel_loop3A_140 : vector<16xf32>
      %parallel_loop3A_142 = arith.constant 1.000000e+00 : f32
      %parallel_loop3A_143 = vector.broadcast %parallel_loop3A_142 : f32 to vector<16xf32>
      %parallel_loop3A_144 = arith.addf %parallel_loop3A_143, %parallel_loop3A_141 : vector<16xf32>
      %parallel_loop3A_145 = arith.constant 1.000000e+00 : f32
      %parallel_loop3A_146 = vector.broadcast %parallel_loop3A_145 : f32 to vector<16xf32>
      %parallel_loop3A_147 = arith.divf %parallel_loop3A_146, %parallel_loop3A_144 : vector<16xf32>
      %parallel_loop3A_148 = arith.mulf %parallel_loop3A_134, %parallel_loop3A_147 : vector<16xf32>
      %parallel_loop3A_149 = arith.constant 9.99999997E-7 : f32
      %parallel_loop3A_150 = vector.broadcast %parallel_loop3A_149 : f32 to vector<16xf32>
      %parallel_loop3A_151 = arith.maximumf %parallel_loop3A_148, %parallel_loop3A_150 : vector<16xf32>
      %parallel_loop3A_152 = arith.mulf %parallel_loop3A_151, %parallel_loop3A_151 : vector<16xf32>
      %parallel_loop3A_153 = arith.mulf %parallel_loop3A_152, %parallel_loop3A_152 : vector<16xf32>
      %parallel_loop3A_154 = arith.mulf %parallel_loop3A_153, %parallel_loop3A_151 : vector<16xf32>
      %parallel_loop3A_155 = arith.mulf %parallel_loop3A_114, %parallel_loop3A_133 : vector<16xf32>
      %parallel_loop3A_156 = arith.constant 5.000000e-02 : f32
      %parallel_loop3A_157 = vector.broadcast %parallel_loop3A_156 : f32 to vector<16xf32>
      %parallel_loop3A_158 = arith.subf %parallel_loop3A_157, %parallel_loop3A_155 : vector<16xf32>
      %parallel_loop3A_159 = arith.constant 9.090909 : f32
      %parallel_loop3A_160 = vector.broadcast %parallel_loop3A_159 : f32 to vector<16xf32>
      %parallel_loop3A_161 = arith.mulf %parallel_loop3A_158, %parallel_loop3A_160 : vector<16xf32>
      %parallel_loop3A_162 = math.exp %parallel_loop3A_161 : vector<16xf32>
      %parallel_loop3A_163 = arith.constant 1.000000e+00 : f32
      %parallel_loop3A_164 = vector.broadcast %parallel_loop3A_163 : f32 to vector<16xf32>
      %parallel_loop3A_165 = arith.addf %parallel_loop3A_164, %parallel_loop3A_162 : vector<16xf32>
      %parallel_loop3A_166 = arith.constant 1.000000e+00 : f32
      %parallel_loop3A_167 = vector.broadcast %parallel_loop3A_166 : f32 to vector<16xf32>
      %parallel_loop3A_168 = arith.divf %parallel_loop3A_167, %parallel_loop3A_165 : vector<16xf32>
      %parallel_loop3A_169 = arith.mulf %parallel_loop3A_155, %parallel_loop3A_168 : vector<16xf32>
      %parallel_loop3A_170 = arith.constant 9.99999997E-7 : f32
      %parallel_loop3A_171 = vector.broadcast %parallel_loop3A_170 : f32 to vector<16xf32>
      %parallel_loop3A_172 = arith.maximumf %parallel_loop3A_169, %parallel_loop3A_171 : vector<16xf32>
      %parallel_loop3A_173 = arith.mulf %parallel_loop3A_172, %parallel_loop3A_172 : vector<16xf32>
      %parallel_loop3A_174 = arith.mulf %parallel_loop3A_173, %parallel_loop3A_173 : vector<16xf32>
      %parallel_loop3A_175 = arith.mulf %parallel_loop3A_174, %parallel_loop3A_172 : vector<16xf32>
      %parallel_loop3A_176 = arith.mulf %parallel_loop3A_117, %parallel_loop3A_133 : vector<16xf32>
      %parallel_loop3A_177 = arith.constant 5.000000e-02 : f32
      %parallel_loop3A_178 = vector.broadcast %parallel_loop3A_177 : f32 to vector<16xf32>
      %parallel_loop3A_179 = arith.subf %parallel_loop3A_178, %parallel_loop3A_176 : vector<16xf32>
      %parallel_loop3A_180 = arith.constant 9.090909 : f32
      %parallel_loop3A_181 = vector.broadcast %parallel_loop3A_180 : f32 to vector<16xf32>
      %parallel_loop3A_182 = arith.mulf %parallel_loop3A_179, %parallel_loop3A_181 : vector<16xf32>
      %parallel_loop3A_183 = math.exp %parallel_loop3A_182 : vector<16xf32>
      %parallel_loop3A_184 = arith.constant 1.000000e+00 : f32
      %parallel_loop3A_185 = vector.broadcast %parallel_loop3A_184 : f32 to vector<16xf32>
      %parallel_loop3A_186 = arith.addf %parallel_loop3A_185, %parallel_loop3A_183 : vector<16xf32>
      %parallel_loop3A_187 = arith.constant 1.000000e+00 : f32
      %parallel_loop3A_188 = vector.broadcast %parallel_loop3A_187 : f32 to vector<16xf32>
      %parallel_loop3A_189 = arith.divf %parallel_loop3A_188, %parallel_loop3A_186 : vector<16xf32>
      %parallel_loop3A_190 = arith.mulf %parallel_loop3A_176, %parallel_loop3A_189 : vector<16xf32>
      %parallel_loop3A_191 = arith.constant 9.99999997E-7 : f32
      %parallel_loop3A_192 = vector.broadcast %parallel_loop3A_191 : f32 to vector<16xf32>
      %parallel_loop3A_193 = arith.maximumf %parallel_loop3A_190, %parallel_loop3A_192 : vector<16xf32>
      %parallel_loop3A_194 = arith.mulf %parallel_loop3A_193, %parallel_loop3A_193 : vector<16xf32>
      %parallel_loop3A_195 = arith.mulf %parallel_loop3A_194, %parallel_loop3A_194 : vector<16xf32>
      %parallel_loop3A_196 = arith.mulf %parallel_loop3A_195, %parallel_loop3A_193 : vector<16xf32>
      %parallel_loop3A_197 = arith.mulf %parallel_loop3A_120, %parallel_loop3A_133 : vector<16xf32>
      %parallel_loop3A_198 = arith.constant 5.000000e-02 : f32
      %parallel_loop3A_199 = vector.broadcast %parallel_loop3A_198 : f32 to vector<16xf32>
      %parallel_loop3A_200 = arith.subf %parallel_loop3A_199, %parallel_loop3A_197 : vector<16xf32>
      %parallel_loop3A_201 = arith.constant 9.090909 : f32
      %parallel_loop3A_202 = vector.broadcast %parallel_loop3A_201 : f32 to vector<16xf32>
      %parallel_loop3A_203 = arith.mulf %parallel_loop3A_200, %parallel_loop3A_202 : vector<16xf32>
      %parallel_loop3A_204 = math.exp %parallel_loop3A_203 : vector<16xf32>
      %parallel_loop3A_205 = arith.constant 1.000000e+00 : f32
      %parallel_loop3A_206 = vector.broadcast %parallel_loop3A_205 : f32 to vector<16xf32>
      %parallel_loop3A_207 = arith.addf %parallel_loop3A_206, %parallel_loop3A_204 : vector<16xf32>
      %parallel_loop3A_208 = arith.constant 1.000000e+00 : f32
      %parallel_loop3A_209 = vector.broadcast %parallel_loop3A_208 : f32 to vector<16xf32>
      %parallel_loop3A_210 = arith.divf %parallel_loop3A_209, %parallel_loop3A_207 : vector<16xf32>
      %parallel_loop3A_211 = arith.mulf %parallel_loop3A_197, %parallel_loop3A_210 : vector<16xf32>
      %parallel_loop3A_212 = arith.constant 9.99999997E-7 : f32
      %parallel_loop3A_213 = vector.broadcast %parallel_loop3A_212 : f32 to vector<16xf32>
      %parallel_loop3A_214 = arith.maximumf %parallel_loop3A_211, %parallel_loop3A_213 : vector<16xf32>
      %parallel_loop3A_215 = arith.mulf %parallel_loop3A_214, %parallel_loop3A_214 : vector<16xf32>
      %parallel_loop3A_216 = arith.mulf %parallel_loop3A_215, %parallel_loop3A_215 : vector<16xf32>
      %parallel_loop3A_217 = arith.mulf %parallel_loop3A_216, %parallel_loop3A_214 : vector<16xf32>
      %parallel_loop3A_218 = arith.mulf %parallel_loop3A_123, %parallel_loop3A_133 : vector<16xf32>
      %parallel_loop3A_219 = arith.constant 5.000000e-02 : f32
      %parallel_loop3A_220 = vector.broadcast %parallel_loop3A_219 : f32 to vector<16xf32>
      %parallel_loop3A_221 = arith.subf %parallel_loop3A_220, %parallel_loop3A_218 : vector<16xf32>
      %parallel_loop3A_222 = arith.constant 9.090909 : f32
      %parallel_loop3A_223 = vector.broadcast %parallel_loop3A_222 : f32 to vector<16xf32>
      %parallel_loop3A_224 = arith.mulf %parallel_loop3A_221, %parallel_loop3A_223 : vector<16xf32>
      %parallel_loop3A_225 = math.exp %parallel_loop3A_224 : vector<16xf32>
      %parallel_loop3A_226 = arith.constant 1.000000e+00 : f32
      %parallel_loop3A_227 = vector.broadcast %parallel_loop3A_226 : f32 to vector<16xf32>
      %parallel_loop3A_228 = arith.addf %parallel_loop3A_227, %parallel_loop3A_225 : vector<16xf32>
      %parallel_loop3A_229 = arith.constant 1.000000e+00 : f32
      %parallel_loop3A_230 = vector.broadcast %parallel_loop3A_229 : f32 to vector<16xf32>
      %parallel_loop3A_231 = arith.divf %parallel_loop3A_230, %parallel_loop3A_228 : vector<16xf32>
      %parallel_loop3A_232 = arith.mulf %parallel_loop3A_218, %parallel_loop3A_231 : vector<16xf32>
      %parallel_loop3A_233 = arith.constant 9.99999997E-7 : f32
      %parallel_loop3A_234 = vector.broadcast %parallel_loop3A_233 : f32 to vector<16xf32>
      %parallel_loop3A_235 = arith.maximumf %parallel_loop3A_232, %parallel_loop3A_234 : vector<16xf32>
      %parallel_loop3A_236 = arith.mulf %parallel_loop3A_235, %parallel_loop3A_235 : vector<16xf32>
      %parallel_loop3A_237 = arith.mulf %parallel_loop3A_236, %parallel_loop3A_236 : vector<16xf32>
      %parallel_loop3A_238 = arith.mulf %parallel_loop3A_237, %parallel_loop3A_235 : vector<16xf32>
      %parallel_loop3A_239 = arith.addf %parallel_loop3A_154, %parallel_loop3A_175 : vector<16xf32>
      %parallel_loop3A_240 = arith.addf %parallel_loop3A_239, %parallel_loop3A_196 : vector<16xf32>
      %parallel_loop3A_241 = arith.addf %parallel_loop3A_240, %parallel_loop3A_217 : vector<16xf32>
      %parallel_loop3A_242 = arith.addf %parallel_loop3A_241, %parallel_loop3A_238 : vector<16xf32>
      %parallel_loop3A_243 = arith.constant 9.99999997E-7 : f32
      %parallel_loop3A_244 = vector.broadcast %parallel_loop3A_243 : f32 to vector<16xf32>
      %parallel_loop3A_245 = arith.maximumf %parallel_loop3A_242, %parallel_loop3A_244 : vector<16xf32>
      %parallel_loop3A_246 = arith.constant 1.000000e+00 : f32
      %parallel_loop3A_247 = vector.broadcast %parallel_loop3A_246 : f32 to vector<16xf32>
      %parallel_loop3A_248 = arith.divf %parallel_loop3A_247, %parallel_loop3A_245 : vector<16xf32>
      %parallel_loop3A_249 = arith.constant 5 : i32
      %parallel_loop3A_250 = vector.broadcast %parallel_loop3A_249 : i32 to vector<16xi32>
      %parallel_loop3A_251 = arith.muli %parallel_loop3A_54, %parallel_loop3A_250 : vector<16xi32>
      %parallel_loop3A_252 = arith.mulf %parallel_loop3A_154, %parallel_loop3A_248 : vector<16xf32>
      %parallel_loop3A_253 = arith.mulf %parallel_loop3A_252, %parallel_loop3A_44 : vector<16xf32>
      %parallel_loop3A_254 = arith.constant 0 : i32
      %parallel_loop3A_255 = vector.broadcast %parallel_loop3A_254 : i32 to vector<16xi32>
      %parallel_loop3A_256 = arith.addi %parallel_loop3A_251, %parallel_loop3A_255 : vector<16xi32>
      tpu.vector_store_idx %arg12[%parallel_loop3A_256], %parallel_loop3A_252 {add = true} : memref<1536xf32, #tpu.memory_space<vmem>>[vector<16xi32>], vector<16xf32>,
      %parallel_loop3A_257 = arith.constant 512 : i32
      %parallel_loop3A_258 = vector.broadcast %parallel_loop3A_257 : i32 to vector<16xi32>
      %parallel_loop3A_259 = arith.addi %parallel_loop3A_256, %parallel_loop3A_258 : vector<16xi32>
      tpu.vector_store_idx %arg12[%parallel_loop3A_259], %parallel_loop3A_253 {add = true} : memref<1536xf32, #tpu.memory_space<vmem>>[vector<16xi32>], vector<16xf32>,
      %parallel_loop3A_260 = arith.constant 1024 : i32
      %parallel_loop3A_261 = vector.broadcast %parallel_loop3A_260 : i32 to vector<16xi32>
      %parallel_loop3A_262 = arith.addi %parallel_loop3A_256, %parallel_loop3A_261 : vector<16xi32>
      %parallel_loop3A_263 = arith.mulf %parallel_loop3A_253, %parallel_loop3A_44 : vector<16xf32>
      tpu.vector_store_idx %arg12[%parallel_loop3A_262], %parallel_loop3A_263 {add = true} : memref<1536xf32, #tpu.memory_space<vmem>>[vector<16xi32>], vector<16xf32>,
      %parallel_loop3A_264 = arith.mulf %parallel_loop3A_175, %parallel_loop3A_248 : vector<16xf32>
      %parallel_loop3A_265 = arith.mulf %parallel_loop3A_264, %parallel_loop3A_44 : vector<16xf32>
      %parallel_loop3A_266 = arith.constant 1 : i32
      %parallel_loop3A_267 = vector.broadcast %parallel_loop3A_266 : i32 to vector<16xi32>
      %parallel_loop3A_268 = arith.addi %parallel_loop3A_251, %parallel_loop3A_267 : vector<16xi32>
      tpu.vector_store_idx %arg12[%parallel_loop3A_268], %parallel_loop3A_264 {add = true} : memref<1536xf32, #tpu.memory_space<vmem>>[vector<16xi32>], vector<16xf32>,
      %parallel_loop3A_269 = arith.constant 512 : i32
      %parallel_loop3A_270 = vector.broadcast %parallel_loop3A_269 : i32 to vector<16xi32>
      %parallel_loop3A_271 = arith.addi %parallel_loop3A_268, %parallel_loop3A_270 : vector<16xi32>
      tpu.vector_store_idx %arg12[%parallel_loop3A_271], %parallel_loop3A_265 {add = true} : memref<1536xf32, #tpu.memory_space<vmem>>[vector<16xi32>], vector<16xf32>,
      %parallel_loop3A_272 = arith.constant 1024 : i32
      %parallel_loop3A_273 = vector.broadcast %parallel_loop3A_272 : i32 to vector<16xi32>
      %parallel_loop3A_274 = arith.addi %parallel_loop3A_268, %parallel_loop3A_273 : vector<16xi32>
      %parallel_loop3A_275 = arith.mulf %parallel_loop3A_265, %parallel_loop3A_44 : vector<16xf32>
      tpu.vector_store_idx %arg12[%parallel_loop3A_274], %parallel_loop3A_275 {add = true} : memref<1536xf32, #tpu.memory_space<vmem>>[vector<16xi32>], vector<16xf32>,
      %parallel_loop3A_276 = arith.mulf %parallel_loop3A_196, %parallel_loop3A_248 : vector<16xf32>
      %parallel_loop3A_277 = arith.mulf %parallel_loop3A_276, %parallel_loop3A_44 : vector<16xf32>
      %parallel_loop3A_278 = arith.constant 2 : i32
      %parallel_loop3A_279 = vector.broadcast %parallel_loop3A_278 : i32 to vector<16xi32>
      %parallel_loop3A_280 = arith.addi %parallel_loop3A_251, %parallel_loop3A_279 : vector<16xi32>
      tpu.vector_store_idx %arg12[%parallel_loop3A_280], %parallel_loop3A_276 {add = true} : memref<1536xf32, #tpu.memory_space<vmem>>[vector<16xi32>], vector<16xf32>,
      %parallel_loop3A_281 = arith.constant 512 : i32
      %parallel_loop3A_282 = vector.broadcast %parallel_loop3A_281 : i32 to vector<16xi32>
      %parallel_loop3A_283 = arith.addi %parallel_loop3A_280, %parallel_loop3A_282 : vector<16xi32>
      tpu.vector_store_idx %arg12[%parallel_loop3A_283], %parallel_loop3A_277 {add = true} : memref<1536xf32, #tpu.memory_space<vmem>>[vector<16xi32>], vector<16xf32>,
      %parallel_loop3A_284 = arith.constant 1024 : i32
      %parallel_loop3A_285 = vector.broadcast %parallel_loop3A_284 : i32 to vector<16xi32>
      %parallel_loop3A_286 = arith.addi %parallel_loop3A_280, %parallel_loop3A_285 : vector<16xi32>
      %parallel_loop3A_287 = arith.mulf %parallel_loop3A_277, %parallel_loop3A_44 : vector<16xf32>
      tpu.vector_store_idx %arg12[%parallel_loop3A_286], %parallel_loop3A_287 {add = true} : memref<1536xf32, #tpu.memory_space<vmem>>[vector<16xi32>], vector<16xf32>,
      %parallel_loop3A_288 = arith.mulf %parallel_loop3A_217, %parallel_loop3A_248 : vector<16xf32>
      %parallel_loop3A_289 = arith.mulf %parallel_loop3A_288, %parallel_loop3A_44 : vector<16xf32>
      %parallel_loop3A_290 = arith.constant 3 : i32
      %parallel_loop3A_291 = vector.broadcast %parallel_loop3A_290 : i32 to vector<16xi32>
      %parallel_loop3A_292 = arith.addi %parallel_loop3A_251, %parallel_loop3A_291 : vector<16xi32>
      tpu.vector_store_idx %arg12[%parallel_loop3A_292], %parallel_loop3A_288 {add = true} : memref<1536xf32, #tpu.memory_space<vmem>>[vector<16xi32>], vector<16xf32>,
      %parallel_loop3A_293 = arith.constant 512 : i32
      %parallel_loop3A_294 = vector.broadcast %parallel_loop3A_293 : i32 to vector<16xi32>
      %parallel_loop3A_295 = arith.addi %parallel_loop3A_292, %parallel_loop3A_294 : vector<16xi32>
      tpu.vector_store_idx %arg12[%parallel_loop3A_295], %parallel_loop3A_289 {add = true} : memref<1536xf32, #tpu.memory_space<vmem>>[vector<16xi32>], vector<16xf32>,
      %parallel_loop3A_296 = arith.constant 1024 : i32
      %parallel_loop3A_297 = vector.broadcast %parallel_loop3A_296 : i32 to vector<16xi32>
      %parallel_loop3A_298 = arith.addi %parallel_loop3A_292, %parallel_loop3A_297 : vector<16xi32>
      %parallel_loop3A_299 = arith.mulf %parallel_loop3A_289, %parallel_loop3A_44 : vector<16xf32>
      tpu.vector_store_idx %arg12[%parallel_loop3A_298], %parallel_loop3A_299 {add = true} : memref<1536xf32, #tpu.memory_space<vmem>>[vector<16xi32>], vector<16xf32>,
      %parallel_loop3A_300 = arith.mulf %parallel_loop3A_238, %parallel_loop3A_248 : vector<16xf32>
      %parallel_loop3A_301 = arith.mulf %parallel_loop3A_300, %parallel_loop3A_44 : vector<16xf32>
      %parallel_loop3A_302 = arith.constant 4 : i32
      %parallel_loop3A_303 = vector.broadcast %parallel_loop3A_302 : i32 to vector<16xi32>
      %parallel_loop3A_304 = arith.addi %parallel_loop3A_251, %parallel_loop3A_303 : vector<16xi32>
      tpu.vector_store_idx %arg12[%parallel_loop3A_304], %parallel_loop3A_300 {add = true} : memref<1536xf32, #tpu.memory_space<vmem>>[vector<16xi32>], vector<16xf32>,
      %parallel_loop3A_305 = arith.constant 512 : i32
      %parallel_loop3A_306 = vector.broadcast %parallel_loop3A_305 : i32 to vector<16xi32>
      %parallel_loop3A_307 = arith.addi %parallel_loop3A_304, %parallel_loop3A_306 : vector<16xi32>
      tpu.vector_store_idx %arg12[%parallel_loop3A_307], %parallel_loop3A_301 {add = true} : memref<1536xf32, #tpu.memory_space<vmem>>[vector<16xi32>], vector<16xf32>,
      %parallel_loop3A_308 = arith.constant 1024 : i32
      %parallel_loop3A_309 = vector.broadcast %parallel_loop3A_308 : i32 to vector<16xi32>
      %parallel_loop3A_310 = arith.addi %parallel_loop3A_304, %parallel_loop3A_309 : vector<16xi32>
      %parallel_loop3A_311 = arith.mulf %parallel_loop3A_301, %parallel_loop3A_44 : vector<16xf32>
      tpu.vector_store_idx %arg12[%parallel_loop3A_310], %parallel_loop3A_311 {add = true} : memref<1536xf32, #tpu.memory_space<vmem>>[vector<16xi32>], vector<16xf32>,
      %parallel_loop3A_312 = arith.subf %parallel_loop3A_44, %parallel_loop3A_46 : vector<16xf32>
      %parallel_loop3A_313 = arith.mulf %parallel_loop3A_312, %parallel_loop3A_312 : vector<16xf32>
      %parallel_loop3A_314 = arith.addf %parallel_loop3A_40, %parallel_loop3A_313 : vector<16xf32>
      scf.yield %parallel_loop3A_314 : vector<16xf32>
    } {sc.loop_unroll_factor = 2 : i64, sc.parallel_access}
    %ge3A = arith.constant 7 : i32
    %ge3A_25 = vector.broadcast %ge3A : i32 to vector<16xi32>
    %ge3A_26 = arith.cmpi sge, %iota3A, %ge3A_25 : vector<16xi32>
    %convert_element_type3A = arith.extui %ge3A_26 : vector<16xi1> to vector<16xi32>
    %ge3A_27 = arith.constant 14 : i32
    %ge3A_28 = vector.broadcast %ge3A_27 : i32 to vector<16xi32>
    %ge3A_29 = arith.cmpi sge, %iota3A, %ge3A_28 : vector<16xi32>
    %convert_element_type3A_30 = arith.extui %ge3A_29 : vector<16xi1> to vector<16xi32>
    %add3A_31 = arith.addi %convert_element_type3A, %convert_element_type3A_30 : vector<16xi32>
    %add3A_32 = arith.constant 505 : i32
    %add3A_33 = vector.broadcast %add3A_32 : i32 to vector<16xi32>
    %add3A_34 = arith.addi %add3A_33, %iota3A : vector<16xi32>
    %mul3A_35 = arith.constant 505 : i32
    %mul3A_36 = vector.broadcast %mul3A_35 : i32 to vector<16xi32>
    %mul3A_37 = arith.muli %add3A_31, %mul3A_36 : vector<16xi32>
    %add3A_38 = arith.addi %add3A_34, %mul3A_37 : vector<16xi32>
    tpu.vector_store_idx %arg12[%add3A_38], %parallel_loop3A_24 {add = true} : memref<1536xf32, #tpu.memory_space<vmem>>[vector<16xi32>], vector<16xf32>,
    "tpu.region"() ({
      %run_scoped3A = tpu.sem_alloc : memref<!tpu.dma_semaphore, #tpu.memory_space<semaphore_mem>>
      %dma_start3A_39 = arith.constant 0 : i32
      %dma_start3A_40 = tpu.memref_slice %arg6[%add3A, %dma_start3A_39] : memref<32x1536xf32, #tpu.memory_space<hbm>> -> memref<1x1536xf32, #tpu.memory_space<hbm>>
      %dma_start3A_41 = tpu.memref_squeeze %dma_start3A_40 : memref<1x1536xf32, #tpu.memory_space<hbm>> -> memref<1536xf32, #tpu.memory_space<hbm>>
      %dma_start3A_42 = arith.constant 0 : i32
      %dma_start3A_43 = tpu.memref_slice %arg6[%add3A, %dma_start3A_42] : memref<32x1536xf32, #tpu.memory_space<hbm>> -> memref<1x1536xf32, #tpu.memory_space<hbm>>
      %dma_start3A_44 = tpu.memref_squeeze %dma_start3A_43 : memref<1x1536xf32, #tpu.memory_space<hbm>> -> memref<1536xf32, #tpu.memory_space<hbm>>
      tpu.enqueue_dma source(%arg12 : memref<1536xf32, #tpu.memory_space<vmem>>) target(%dma_start3A_44 : memref<1536xf32, #tpu.memory_space<hbm>>) target_semaphore(%run_scoped3A : memref<!tpu.dma_semaphore, #tpu.memory_space<semaphore_mem>>)
      %dma_wait3A_45 = arith.constant 0 : i32
      %dma_wait3A_46 = tpu.memref_slice %arg6[%add3A, %dma_wait3A_45] : memref<32x1536xf32, #tpu.memory_space<hbm>> -> memref<1x1536xf32, #tpu.memory_space<hbm>>
      %dma_wait3A_47 = tpu.memref_squeeze %dma_wait3A_46 : memref<1x1536xf32, #tpu.memory_space<hbm>> -> memref<1536xf32, #tpu.memory_space<hbm>>
      %dma_wait3A_48 = arith.constant 0 : i32
      %dma_wait3A_49 = tpu.memref_slice %arg6[%add3A, %dma_wait3A_48] : memref<32x1536xf32, #tpu.memory_space<hbm>> -> memref<1x1536xf32, #tpu.memory_space<hbm>>
      %dma_wait3A_50 = tpu.memref_squeeze %dma_wait3A_49 : memref<1x1536xf32, #tpu.memory_space<hbm>> -> memref<1536xf32, #tpu.memory_space<hbm>>
      tpu.wait_dma2 semaphore(%run_scoped3A : memref<!tpu.dma_semaphore, #tpu.memory_space<semaphore_mem>>) src(%arg12 : memref<1536xf32, #tpu.memory_space<vmem>>) dst(%dma_wait3A_50 : memref<1536xf32, #tpu.memory_space<hbm>>)
      tpu.yield
    }) : () -> ()
    return
  }
}

module attributes {stable_mosaic.version = 14 : i64} {
  func.func @_final_body(%arg0: memref<32x1536xf32, #tpu.memory_space<vmem>>, %arg1: memref<1x1xf32, #tpu.memory_space<vmem>>) attributes {dimension_semantics = [], scalar_prefetch = 0 : i64, scratch_operands = 0 : i64, tpu.core_type = #tpu.core_type<tc>} {
    %get3A = arith.constant 0 : index
    %get3A_0 = arith.constant 0 : index
    %get3A_1 = vector.load %arg0[%get3A, %get3A_0] : memref<32x1536xf32, #tpu.memory_space<vmem>>, vector<32x1536xf32>
    %reduce_sum3A = arith.constant dense<0.000000e+00> : vector<1536xf32>
    %reduce_sum3A_2 = vector.multi_reduction <add>, %get3A_1, %reduce_sum3A [0] : vector<32x1536xf32> to vector<1536xf32>
    %reshape3A = vector.shape_cast %reduce_sum3A_2 : vector<1536xf32> to vector<3x512xf32>
    %iota3A = tpu.iota {dimensions = array<i32: 1>} : vector<1x512xi32>
    %lt3A = arith.constant 505 : i32
    %lt3A_3 = vector.broadcast %lt3A : i32 to vector<1x512xi32>
    %lt3A_4 = arith.cmpi slt, %iota3A, %lt3A_3 : vector<1x512xi32>
    %slice3A = vector.extract_strided_slice %reshape3A {offsets = [0, 0], sizes = [1, 512], strides = [1, 1]} : vector<3x512xf32> to vector<1x512xf32>
    %jit3A = arith.constant 0.000000e+00 : f32
    %broadcast_in_dim3A = vector.broadcast %jit3A : f32 to vector<1x512xf32>
    %select_n3A = arith.select %lt3A_4, %slice3A, %broadcast_in_dim3A : vector<1x512xi1>, vector<1x512xf32>
    %slice3A_5 = vector.extract_strided_slice %reshape3A {offsets = [1, 0], sizes = [1, 512], strides = [1, 1]} : vector<3x512xf32> to vector<1x512xf32>
    %jit3A_6 = arith.constant 0.000000e+00 : f32
    %broadcast_in_dim3A_7 = vector.broadcast %jit3A_6 : f32 to vector<1x512xf32>
    %select_n3A_8 = arith.select %lt3A_4, %slice3A_5, %broadcast_in_dim3A_7 : vector<1x512xi1>, vector<1x512xf32>
    %slice3A_9 = vector.extract_strided_slice %reshape3A {offsets = [2, 0], sizes = [1, 512], strides = [1, 1]} : vector<3x512xf32> to vector<1x512xf32>
    %jit3A_10 = arith.constant 0.000000e+00 : f32
    %broadcast_in_dim3A_11 = vector.broadcast %jit3A_10 : f32 to vector<1x512xf32>
    %select_n3A_12 = arith.select %lt3A_4, %slice3A_9, %broadcast_in_dim3A_11 : vector<1x512xi1>, vector<1x512xf32>
    %max3A = arith.constant 9.99999997E-7 : f32
    %max3A_13 = vector.broadcast %max3A : f32 to vector<1x512xf32>
    %max3A_14 = arith.maximumf %select_n3A, %max3A_13 : vector<1x512xf32>
    %div3A = arith.divf %select_n3A_8, %max3A_14 : vector<1x512xf32>
    %mul3A = arith.constant 2.000000e+00 : f32
    %mul3A_15 = vector.broadcast %mul3A : f32 to vector<1x512xf32>
    %mul3A_16 = arith.mulf %mul3A_15, %div3A : vector<1x512xf32>
    %mul3A_17 = arith.mulf %mul3A_16, %select_n3A_8 : vector<1x512xf32>
    %sub3A = arith.subf %select_n3A_12, %mul3A_17 : vector<1x512xf32>
    %mul3A_18 = arith.mulf %div3A, %div3A : vector<1x512xf32>
    %mul3A_19 = arith.mulf %mul3A_18, %select_n3A : vector<1x512xf32>
    %add3A = arith.addf %sub3A, %mul3A_19 : vector<1x512xf32>
    %reduce_sum3A_20 = vector.shape_cast %add3A : vector<1x512xf32> to vector<1x1x512xf32>
    %reduce_sum3A_21 = arith.constant dense<0.000000e+00> : vector<1xf32>
    %reduce_sum3A_22 = vector.multi_reduction <add>, %reduce_sum3A_20, %reduce_sum3A_21 [1, 2] : vector<1x1x512xf32> to vector<1xf32>
    %reduce_sum3A_23 = vector.shape_cast %reduce_sum3A_22 : vector<1xf32> to vector<1x1x1xf32>
    %reduce_sum3A_24 = vector.extract %reduce_sum3A_23[0, 0, 0] : f32 from vector<1x1x1xf32>
    %reduce_sum3A_25 = vector.shape_cast %select_n3A : vector<1x512xf32> to vector<1x1x512xf32>
    %reduce_sum3A_26 = arith.constant dense<0.000000e+00> : vector<1xf32>
    %reduce_sum3A_27 = vector.multi_reduction <add>, %reduce_sum3A_25, %reduce_sum3A_26 [1, 2] : vector<1x1x512xf32> to vector<1xf32>
    %reduce_sum3A_28 = vector.shape_cast %reduce_sum3A_27 : vector<1xf32> to vector<1x1x1xf32>
    %reduce_sum3A_29 = vector.extract %reduce_sum3A_28[0, 0, 0] : f32 from vector<1x1x1xf32>
    %max3A_30 = arith.constant 9.99999997E-7 : f32
    %max3A_31 = arith.maximumf %reduce_sum3A_29, %max3A_30 : f32
    %div3A_32 = arith.divf %reduce_sum3A_24, %max3A_31 : f32
    %jit3A_33 = arith.constant 0.000000e+00 : f32
    %broadcast_in_dim3A_34 = vector.shape_cast %lt3A_4 : vector<1x512xi1> to vector<1x512xi1>
    %broadcast_in_dim3A_35 = vector.broadcast %broadcast_in_dim3A_34 : vector<1x512xi1> to vector<3x512xi1>
    %broadcast_in_dim3A_36 = vector.broadcast %jit3A_33 : f32 to vector<3x512xf32>
    %select_n3A_37 = arith.select %broadcast_in_dim3A_35, %broadcast_in_dim3A_36, %reshape3A : vector<3x512xi1>, vector<3x512xf32>
    %reduce_sum3A_38 = vector.shape_cast %select_n3A_37 : vector<3x512xf32> to vector<1x3x512xf32>
    %reduce_sum3A_39 = arith.constant dense<0.000000e+00> : vector<1xf32>
    %reduce_sum3A_40 = vector.multi_reduction <add>, %reduce_sum3A_38, %reduce_sum3A_39 [1, 2] : vector<1x3x512xf32> to vector<1xf32>
    %reduce_sum3A_41 = vector.shape_cast %reduce_sum3A_40 : vector<1xf32> to vector<1x1x1xf32>
    %reduce_sum3A_42 = vector.extract %reduce_sum3A_41[0, 0, 0] : f32 from vector<1x1x1xf32>
    %div3A_43 = arith.constant 1.638400e+04 : f32
    %div3A_44 = arith.divf %reduce_sum3A_42, %div3A_43 : f32
    %mul3A_45 = arith.constant 1.000000e+00 : f32
    %mul3A_46 = arith.mulf %mul3A_45, %div3A_44 : f32
    %mul3A_47 = arith.constant 1.000000e+00 : f32
    %mul3A_48 = arith.mulf %mul3A_47, %div3A_32 : f32
    %add3A_49 = arith.addf %mul3A_46, %mul3A_48 : f32
    %reshape3A_50 = vector.broadcast %add3A_49 : f32 to vector<1x1xf32>
    %swap3A = arith.constant 0 : index
    %swap3A_51 = arith.constant 0 : index
    %swap3A_52 = vector.load %arg1[%swap3A, %swap3A_51] : memref<1x1xf32, #tpu.memory_space<vmem>>, vector<1x1xf32>
    tpu.vector_store %arg1[%swap3A, %swap3A_51], %reshape3A_50 {strides = array<i32>} : memref<1x1xf32, #tpu.memory_space<vmem>>, vector<1x1xf32>,
    return
  }
}

</mosaic_0001>

<sc_bundles>
// kernel: kernel.4.cloned.1.call-start
scs
__scs_entry_jumppad:
0x0: {  	(pc) =	sbr.rel $0x88, $3  }
0x1: {  	(tag) =	ssettag $0x0;
	lr =	simm.s32 $0x1  }
0x2: {  	[smem:$0x3F9D] =	sst lr;
	_ =	strace $0xD0000000  }
0x3: {  	_ = 	snop  }
0x4: {  	_ = 	snop  }
0x5: {  	_ = 	snop  }
0x6: {  	_ = 	snop  }
0x7: {  	_ = 	snop  }
__scs_overlays_trampoline_lowered:
0x8: {  	[smem:$0x3FAC] =	sst s0  }
0x9: {  	[smem:$0x3FAD] =	sst s1  }
0xa: {  	[smem:$0x3FAE] =	sst s2  }
0xb: {  	[smem:$0x3FAF] =	sst s3  }
0xc: {  	[smem:$0x3FB0] =	sst s4  }
0xd: {  	[smem:$0x3FB1] =	sst s5  }
0xe: {  	[smem:$0x3FB2] =	sst s6  }
0xf: {  	[smem:$0x3FB3] =	sst s7  }
0x10: {  	[smem:$0x3FB4] =	sst s8  }
0x11: {  	[smem:$0x3FB5] =	sst s9;
	s0 =	simm.s32 @!p0 $0x0  }
0x12: {  	s1 =	sld [smem:$0x3F9B];
	s0 =	simm.s32 @p0 $0x1  }
0x13: {  	[smem:$0x3FB6] =	sst s0;
	s0 =	simm.s32 @!p1 $0x0  }
0x14: {  	s2 =	sld [smem:$0x3F9A];
	s0 =	simm.s32 @p1 $0x1  }
0x15: {  	[smem:$0x3FB7] =	sst s0;
	s0 =	simm.s32 @!p2 $0x0  }
0x16: {  	s3 =	sld [smem:$0x3FDB];
	s0 =	simm.s32 @p2 $0x1  }
0x17: {  	s4 =	simm.s32 $0x1BF5;
	[smem:$0x3FB9] =	sst s0  }
0x18: {  	s0 =	sld [smem:$0x3F9C];
	_ =	swait.ge [sflag:s4], $0x0  }
0x19: {  	s7 =	sld [smem:$0x3F9D]  }
0x1a: {  	s8 =	sadd.s32 $0xFFFFE003, lr  }
0x1b: {  	s9 =	sadd.s32 $0xFFFFFEF7, lr;
	s5 =	simm.s32 $0xFFFFFFFF;
	p2 =	slt.u32 s8, $0xFFFFF086  }
0x1c: {  	p1 =	slt.u32 s9, $0xF7A;
	s5 =	simm.s32 @!p2 $0x0  }
0x1d: {  	s5 =	simm.s32 @p1 $0x1;
	p0 =	seq.s32 s7, s2  }
0x1e: {  	s7 =	smul.u32 @!p0 $0xF7A, s2;
	p2 =	seq.s32 @!p0 s5, $0x0  }
0x1f: {  	s9 =	smul.u32 $0xF7A, s1;
	s8 =	simm.s32 @!p0 $0x1BF5;
	p2 =	por !p2, p0  }
0x20: {  	[sflag:s8] =	ssyncset.s32 @!p0 $0xFFFFF086;
	s6 =	sadd.s32 @!p0 s3, s7;
	s7 =	simm.s32 @!p0 $0x108  }
0x21: {  	s3 =	sadd.s32 s3, s9;
	s6 =	sadd.s32 @!p0 $0x88, s6;
	s7 =	simm.s32 @p2 $0x1082  }
0x22: {  	[simem:s7], [sflag:s8] =	dma.local @!p0 [hbm:s6], $0xF7A  }
0x23: {  	s9 =	sor.u32 $0xD0000000, s2;
	s6 =	simm.s32 $0x108;
	_ =	swait.ge @!p0 [sflag:s8], $0x0  }
0x24: {  	s3 =	sadd.s32 $0x88, s3;
	s6 =	simm.s32 @!p1 $0x1082;
	[sflag:s4] =	ssyncset.s32 $0xFFFFF086  }
0x25: {  	[simem:s6], [sflag:s4] =	dma.local [hbm:s3], $0xF7A  }
0x26: {  	[smem:$0x3F9D] =	sst s1;
	(tag) =	ssettag s2;
	_ =	strace s9  }
0x27: {  	s1 =	sld [smem:$0x3FAD]  }
0x28: {  	s2 =	sld [smem:$0x3FAE]  }
0x29: {  	s4 =	sld [smem:$0x3FB0]  }
0x2a: {  	p0 =	seq.s32 s5, $0x0;
	s5 =	sld [smem:$0x3FB1]  }
0x2b: {  	s6 =	sld [smem:$0x3FB2]  }
0x2c: {  	s7 =	sld [smem:$0x3FB3]  }
0x2d: {  	s3 =	simm.s32 $0x108;
	s8 =	sld [smem:$0x3FB4]  }
0x2e: {  	s3 =	simm.s32 @!p0 $0x1082;
	s9 =	sld [smem:$0x3FB5]  }
0x2f: {  	lr =	sadd.s32 s0, s3;
	s0 =	sld [smem:$0x3FAC]  }
0x30: {  	s3 =	sld [smem:$0x3FAF]  }
0x31: {  	[smem:$0x3FB8] =	sst s10  }
0x32: {  	s10 =	sld [smem:$0x3FB6];
	_ =	sdelay $0x3  }
0x33: {  	p0 =	seq.s32 s10, $0x1;
	s10 =	sld [smem:$0x3FB8];
	_ =	sdelay $0x3  }
0x34: {  	[smem:$0x3FB8] =	sst s10  }
0x35: {  	s10 =	sld [smem:$0x3FB7];
	_ =	sdelay $0x3  }
0x36: {  	p1 =	seq.s32 s10, $0x1;
	s10 =	sld [smem:$0x3FB8];
	_ =	sdelay $0x3  }
0x37: {  	[smem:$0x3FB8] =	sst s10  }
0x38: {  	s10 =	sld [smem:$0x3FB9]  }
0x39: {  	_ = 	snop;
	(pc) =	sbr.ind lr, $3  }
0x3a: {  	_ = 	snop  }
0x3b: {  	_ = 	snop  }
0x3c: {  	p2 =	seq.s32 s10, $0x1;
	s10 =	sld [smem:$0x3FB8]  }
0x3d: {  	_ =	shalt  }
0x3e: {  	_ =	shalt  }
0x3f: {  	_ =	shalt  }
0x40: {  	_ =	shalt  }
0x41: {  	_ =	shalt  }
0x42: {  	_ =	shalt  }
0x43: {  	_ =	shalt  }
0x44: {  	_ =	shalt  }
0x45: {  	_ =	shalt  }
0x46: {  	_ =	shalt  }
0x47: {  	_ =	shalt  }
0x48: {  	_ =	shalt  }
0x49: {  	_ =	shalt  }
0x4a: {  	_ =	shalt  }
0x4b: {  	_ =	shalt  }
0x4c: {  	_ =	shalt  }
0x4d: {  	_ =	shalt  }
0x4e: {  	_ =	shalt  }
0x4f: {  	_ =	shalt  }
0x50: {  	_ =	shalt  }
0x51: {  	_ =	shalt  }
0x52: {  	_ =	shalt  }
0x53: {  	_ =	shalt  }
0x54: {  	_ =	shalt  }
0x55: {  	_ =	shalt  }
0x56: {  	_ =	shalt  }
0x57: {  	_ =	shalt  }
0x58: {  	_ =	shalt  }
0x59: {  	_ =	shalt  }
0x5a: {  	_ =	shalt  }
0x5b: {  	_ =	shalt  }
0x5c: {  	_ =	shalt  }
0x5d: {  	_ =	shalt  }
0x5e: {  	_ =	shalt  }
0x5f: {  	_ =	shalt  }
0x60: {  	_ =	shalt  }
0x61: {  	_ =	shalt  }
0x62: {  	_ =	shalt  }
0x63: {  	_ =	shalt  }
0x64: {  	_ =	shalt  }
0x65: {  	_ =	shalt  }
0x66: {  	_ =	shalt  }
0x67: {  	_ =	shalt  }
0x68: {  	_ =	shalt  }
0x69: {  	_ =	shalt  }
0x6a: {  	_ =	shalt  }
0x6b: {  	_ =	shalt  }
0x6c: {  	_ =	shalt  }
0x6d: {  	_ =	shalt  }
0x6e: {  	_ =	shalt  }
0x6f: {  	_ =	shalt  }
0x70: {  	_ =	shalt  }
0x71: {  	_ =	shalt  }
0x72: {  	_ =	shalt  }
0x73: {  	_ =	shalt  }
0x74: {  	_ =	shalt  }
0x75: {  	_ =	shalt  }
0x76: {  	_ =	shalt  }
0x77: {  	_ =	shalt  }
0x78: {  	_ =	shalt  }
0x79: {  	_ =	shalt  }
0x7a: {  	_ =	shalt  }
0x7b: {  	_ =	shalt  }
0x7c: {  	_ =	shalt  }
0x7d: {  	_ =	shalt  }
0x7e: {  	_ =	shalt  }
0x7f: {  	_ =	shalt  }
0x80: {  	_ =	shalt  }
0x81: {  	_ =	shalt  }
0x82: {  	_ =	shalt  }
0x83: {  	_ =	shalt  }
0x84: {  	_ =	shalt  }
0x85: {  	_ =	shalt  }
0x86: {  	_ =	shalt  }
0x87: {  	_ =	shalt  }
.Lfunc_end0:
.L_simem_size_0:
called_computation_lowered:
.L_overlay_start_0:
0x88: {  	s2 =	sld [smem:$0x3FD9]  }
0x89: {  	s3 =	sld [smem:$0x3FFE];
	_ =	sdelay $0x1  }
0x8a: {  	s1 =	srdreg.scid  }
0x8b: {  	s0 =	sand.u32 $0x1, s1  }
0x8c: {  	s17 =	sshll.u32 s0, $0xA;
	s2 =	sadd.s32 s3, s2  }
0x8d: {  	s2 =	sadd.s32 s2, s17  }
0x8e: {  	[smem:$0x3FC4] =	sst s2  }
0x8f: {  	_ = 	snop  }
0x90: {  	s2 =	sld [smem:$0x3FC9]  }
0x91: {  	s18 =	sld [smem:$0x3FC8]  }
0x92: {  	s4 =	sld [smem:$0x3FC7];
	(tm) =	ssettm $0x1  }
0x93: {  	s5 =	sld [smem:$0x3FFB];
	_ =	sdelay $0x3  }
0x94: {  	_ =	strace s5  }
0x95: {  	s5 =	sld [smem:$0x3FFC];
	_ =	sdelay $0x3  }
0x96: {  	_ =	strace s5  }
0x97: {  	s5 =	sld [smem:$0x3FFD];
	_ =	sdelay $0x3  }
0x98: {  	_ =	strace s5  }
0x99: {  	_ =	strace $0x8FFFFFFF  }
0x9a: {  	s19 =	sld [smem:$0x3FDB];
	_ =	sdelay $0x1  }
0x9b: {  	s6 =	simm.s32 $_scs_section_size  }
0x9c: {  	s7 =	simm.s32 $_size__tile_overlayer_lowered;
	s8 =	simm.s32 $_tile_overlayer_lowered  }
0x9d: {  	s22 =	simm.s32 $0x1BFF;
	s21 =	sshll.u32 s8, $0x1;
	s5 =	sadd.s32 s6, s19  }
0x9e: {  	s9 =	simm.s32 $0x0;
	s20 =	sshll.u32 s7, $0x1;
	s7 =	sadd.s32 s21, s5  }
0x9f: {  	[timem:s9], [sflag:s22] =	dma.local [hbm:s7], s20  }
0xa0: {  	_ =	swait.ge [sflag:s22], s20  }
0xa1: {  	s6 =	ssub.s32 $0x0, s20;
	[sflag:s22] =	ssyncset.done $0x0  }
0xa2: {  	[sflag:s22] =	ssyncadd.s32 s6;
	_ =	sdelay $0x1  }
0xa3: {  	s23 =	simm.s32 $0x1B8B  }
0xa4: {  	_ =	swait.ge [sflag:s23], $0x1  }
0xa5: {  	[sflag:s23] =	ssyncset.done $0x0  }
0xa6: {  	s25 =	simm.s32 $0x1B8E;
	s24 =	sld [smem:$0x3FFE];
	[sflag:s23] =	ssyncadd.s32 $0xFFFFFFFF  }
0xa7: {  	s26 =	simm.s32 $execute0_lowered;
	[smem:$0x3FD2] =	sst s25  }
0xa8: {  	s7 =	sshll.u32 s26, $0x1;
	_ =	strace $0x80000046;
	[dreg:$0x1] =	wrdreg $0xFFFFFFFF  }
0xa9: {  	s28 =	simm.s32 $_size_execute0_lowered;
	s5 =	sadd.s32 s5, s7;
	[dreg:$0x0] =	wrdreg $0x0  }
0xaa: {  	s7 =	sshll.u32 s28, $0x1;
	[dreg:$0x2] =	wrdreg s5  }
0xab: {  	[dreg:$0x3] =	wrdreg s7  }
0xac: {  	[dreg:$0x4] =	wrdreg $0xC0  }
0xad: {  	_ =	task [dreg:s9], $0x5FFFF  }
0xae: {  	[dreg:$0x1] =	wrdreg $0xFFFFFFFF  }
0xaf: {  	[dreg:$0x0] =	wrdreg $0x60  }
0xb0: {  	[dreg:$0x2] =	wrdreg s2  }
0xb1: {  	[dreg:$0x3] =	wrdreg s18  }
0xb2: {  	[dreg:$0x4] =	wrdreg s4  }
0xb3: {  	[dreg:$0x5] =	wrdreg s24  }
0xb4: {  	[dreg:$0x6] =	wrdreg $0x9  }
0xb5: {  	_ =	task.clear_ibuf [dreg:s9], $0x7FFFF;
	_ =	strace $0x90000046  }
0xb6: {  	s29 =	simm.s32 $0x9;
	_ =	strace $0x80000048  }
0xb7: {  	_ =	swait.ge [sflag:s29], $0x1  }
0xb8: {  	[sflag:s29] =	ssyncadd.s32 $0xFFFFFFFF  }
0xb9: {  	_ =	strace $0x90000048  }
0xba: {  	_ =	sfence  }
0xbb: {  	s30 =	sld [smem:$0x0];
	_ =	sdelay $0x2  }
0xbc: {  	s31 =	sshll.u32 s1, $0xD;
	s1 =	sshrl.u32 s1, $0x2  }
0xbd: {  	s3 =	sand.u32 $0x4000, s31;
	s1 =	sadd.s32 s1, s30  }
0xbe: {  	s0 =	sor.u32 s3, s0;
	s1 =	sshll.u32 s1, $0x11  }
0xbf: {  	s0 =	sor.u32 s1, s0  }
0xc0: {  	s0 =	sadd.s32 $0x8F2B, s0  }
0xc1: {  	[sflag:s0] =	ssyncadd.remote.s32 $0x1  }
0xc2: {  	_ =	sfence.sel $0xFFFF  }
0xc3: {  	[dreg:$0x0] =	wrdreg $0xFFFFFFFF;
	(pc) =	sbr.abs _section_cstart, $3  }
0xc4: {  	[dreg:$0x1] =	wrdreg $0xFFFFFFFF  }
0xc5: {  	_ =	task.clear_ibuf [dreg:s9], $0x2FFFF;
	_ =	strace $0x9FFFFFFF  }
0xc6: {  	(tm) =	ssettm $0x7FFFFFFF  }
0xc7: {  	_ =	shalt  }
tec
execute0_lowered:
.L_overlay_start_1:
0x0: {  	(tag) =	ssettag $0x1  }
0x1: {  	v2 =	vimm.s32 $0x190;
	vm3 =	vcmask $0x300;
	vm2 =	vcmask $0x704  }
0x2: {  	vm1 =	vcmask $0xB08;
	v3 =	vimm.s32 $0x5FA;
	vm0 =	vcmask $0xF0C  }
0x3: {  	v4 =	vimm.s32 $0x191;
	v5 =	vimm.s32 $0x192;
	v6 =	vimm.s32 $0x193  }
0x4: {  	vm15 =	vcmask $0x1310;
	vm6 =	vcmask $0x1714;
	v3 =	vsel vm3, $0x1F9, v3  }
0x5: {  	s4 =	rddreg [dreg:$0x0];
	vm7 =	vcmask $0x1B18;
	vm8 =	vcmask $0x1F1C;
	v3 =	vsel vm2, $0x1FA, v3  }
0x6: {  	s5 =	rddreg [dreg:$0x1];
	vm9 =	vcmask $0x2320;
	v2 =	vsel vm3, $0x180, v2;
	v3 =	vsel vm1, $0x1FB, v3  }
0x7: {  	s6 =	rddreg [dreg:$0x2];
	s1 =	srdreg.scid;
	vm10 =	vcmask $0x2724;
	v2 =	vsel vm2, $0x184, v2;
	v3 =	vsel vm0, $0x1FC, v3  }
0x8: {  	s0 =	stileid.u32;
	s7 =	rddreg [dreg:$0x3];
	vm11 =	vcmask $0x2B28;
	s12 =	simm.s32 $0x1;
	v2 =	vsel vm1, $0x188, v2;
	v3 =	vsel vm15, $0x1FD, v3  }
0x9: {  	vm12 =	vcmask $0x2F2C;
	s13 =	simm.s32 $0x800;
	s14 =	simm.s32 $0x2;
	s15 =	simm.s32 $0xA00;
	v2 =	vsel vm0, $0x18C, v2;
	v3 =	vsel vm6, $0x1FE, v3  }
0xa: {  	vm13 =	vcmask $0x3330;
	s16 =	simm.s32 $0x80;
	s17 =	simm.s32 $0x3;
	s18 =	simm.s32 $0x0;
	v4 =	vsel vm3, $0x181, v4;
	[tilespmem:$0x1FFB0] =	vst v2;
	v2 =	vsel vm7, $0x1FF, v3  }
0xb: {  	vm14 =	vcmask $0x3734;
	s3 =	sand.u32 $0x1, s1;
	s2 =	sshll.u32 s0, $0x1;
	s1 =	rddreg [dreg:$0x4];
	v3 =	vsel vm2, $0x185, v4;
	v2 =	vsel vm8, $0x3F9, v2  }
0xc: {  	v5 =	vsel vm3, $0x182, v5;
	s9 =	sshrl.u32 s0, $0x2;
	s8 =	sor.u32 s3, s2;
	s2 =	simm.s32 $0x0;
	v3 =	vsel vm1, $0x189, v3;
	v2 =	vsel vm9, $0x3FA, v2  }
0xd: {  	v6 =	vsel vm3, $0x183, v6;
	s9 =	smul.u32 $0x3000, s9;
	s30 =	ssub.s32 $0x2, s3;
	[smem:$0x7FF] =	sst s2;
	v3 =	vsel vm0, $0x18D, v3;
	v2 =	vsel vm10, $0x3FB, v2  }
0xe: {  	s3 =	sadd.s32 $0x600, s7;
	s10 =	sshll.u32 s8, $0x7;
	_ =	strace $0x80000047;
	[tilespmem:$0x1FFC0] =	vst v3;
	v3 =	vsel vm2, $0x186, v5;
	v2 =	vsel vm11, $0x3FC, v2  }
0xf: {  	v63 =	vsel vm2, $0x187, v6;
	s11 =	sshrl.u32 s30, $0x1;
	s8 =	sshll.u32 s8, $0x6;
	s10 =	sand.u32 $0x380, s10;
	v3 =	vsel vm1, $0x18A, v3;
	v2 =	vsel vm12, $0x3FD, v2  }
0x10: {  	s31 =	ssub.s32 s30, s11;
	s4 =	sadd.s32 s4, s8;
	s9 =	sor.u32 s9, s10;
	v4 =	vsel vm1, $0x18B, v63;
	v3 =	vsel vm0, $0x18E, v3;
	v2 =	vsel vm13, $0x3FE, v2  }
0x11: {  	s5 =	sadd.s32 s5, s8;
	s6 =	sadd.s32 s6, s8;
	vm15 =	vcmask $0x3B38;
	s9 =	sshrl.u32 s9, $0x3;
	[tilespmem:$0x1FFD0] =	vst v3;
	v3 =	vsel vm0, $0x18F, v4;
	v2 =	vsel vm14, $0x3FF, v2  }
0x12: {  	s11 =	simm.s32 $0x400;
	s8 =	smax.u32 s31, $0x1;
	s7 =	sadd.s32 s9, s7;
	[tilespmem:$0x1FFE0] =	vst v3;
	v2 =	vsel vm15, $0x5F9, v2  }
0x13: {  	v0 =	vimm.f32 $0.0e+00;
	v1 =	vlaneseq.u32;
	s10 =	simm.s32 $0x200;
	s9 =	simm.s32 $0x600;
	s7 =	sadd.s32 $0x800, s7;
	[tilespmem:$0x1FFF0] =	vst v2  }
.LBB2_1:
0x14: {  	[tilespmem:s9], [sflag:$0x1] =	stream.linear.gather [hbm4b:s3+s2], $0x200, $0x38;
	[tilespmem:$0x1000] =	vst v63  }
0x15: {  	_ = 	snop  }
0x16: {  	[tilespmem:s2], [sflag:$0x2] =	stream.linear.gather [hbm4b:s4+s2], $0x200, $0x38;
	[tilespmem:$0x1000] =	vst v63  }
0x17: {  	_ = 	snop  }
0x18: {  	[tilespmem:s10], [sflag:$0x2] =	stream.linear.gather [hbm4b:s5+s2], $0x200, $0x38;
	[tilespmem:$0x1000] =	vst v63  }
0x19: {  	s19 =	simm.s32 $0xA20  }
0x1a: {  	[tilespmem:s11], [sflag:$0x2] =	stream.linear.gather [hbm4b:s6+s2], $0x200, $0x38;
	[tilespmem:$0x1000] =	vst v63  }
0x1b: {  	[tilespmem:s19+$0xFFFFFFE0] =	vst v0  }
0x1c: {  	[tilespmem:s19+$0x10] =	vst v0  }
0x1d: {  	s20 =	simm.s32 $0x0;
	[tilespmem:s19+$0x0] =	vst v0  }
.LBB2_2:
0x1e: {  	s20 =	sadd.s32 $0x4, s20  }
0x1f: {  	[tilespmem:s19+$0xFFFFFFF0] =	vst v0;
	s19 =	sadd.s32 $0x40, s19;
	p0 =	slt.u32 s20, $0x5C  }
.Ltmp0:
0x20: {  	[tilespmem:s19+$0xFFFFFFE0] =	vst v0;
	(pc) =	sbr.rel @p0 .LBB2_2-.Ltmp0, $3  }
0x21: {  	_ =	sdelay $0x1  }
0x22: {  	[tilespmem:s19+$0x10] =	vst v0  }
0x23: {  	[tilespmem:s19+$0x0] =	vst v0  }
0x24: {  	s20 =	simm.s32 $0x0  }
0x25: {  	v2 =	vor.u32 s20, v1  }
0x26: {  	vm0 =	vlt.s32 v2, $0x64  }
0x27: {  	v2 =	vnsel vm0, $0x64, v2  }
0x28: {  	v10 =	vshll.u32 v2, $0x2  }
0x29: {  	[tilespmem:s19+$0xFFFFFFF0] =	vst v0  }
0x2a: {  	_ =	swait.ge [sflag:s12], $0x200  }
0x2b: {  	s29 =	simm.s32 $0x10;
	[sflag:s12] =	ssyncset.done $0x0  }
0x2c: {  	v3 =	vor.u32 s29, v1;
	[sflag:s12] =	ssyncadd.s32 $0xFFFFFE00  }
0x2d: {  	vm13 =	vlt.s32 v3, $0x64;
	v2 =	vld.idx.msk [tilespmem:v10+s9+$0x0], $0xffff  }
0x2e: {  	v3 =	vnsel vm13, $0x64, v3  }
0x2f: {  	v3 =	vshll.u32 v3, $0x2;
	_ =	sdelay $0x2  }
0x30: {  	v2 =	vsub.f32 $0.0e+00, v2;
	_ =	sdelay $0x1  }
0x31: {  	v4 =	vld.idx.msk [tilespmem:v3+s9+$0x0], $0xffff;
	v2 =	vmul.f32 $1.442695020e+00, v2;
	_ =	sdelay $0x1  }
0x32: {  	(erf) = vpow2.f32 v2;
	_ =	sdelay $0x2  }
0x33: {  	v2 =	vsub.f32 $0.0e+00, v4;
	_ =	sdelay $0x1  }
0x34: {  	v2 =	vmul.f32 $1.442695020e+00, v2  }
0x35: {  	v4 =	vor.u32 $0x1, v10  }
0x36: {  	(erf) = vpow2.f32 v2;
	_ =	sdelay $0x1  }
0x37: {  	v2 =	vpop (erf)  }
0x38: {  	[tilespmem:v10+s13+$0x0] =	vst.idx.msk $0xffff, v2  }
0x39: {  	v5 =	vld.idx.msk [tilespmem:v4+s9+$0x0], $0xffff;
	_ =	sdelay $0x1  }
0x3a: {  	v6 =	vor.u32 $0x1, v3;
	_ =	sdelay $0x2  }
0x3b: {  	v8 =	vpop (erf);
	v7 =	vand.u32 $0x7FFFFFFF, v5  }
0x3c: {  	[tilespmem:v3+s13+$0x0] =	vst.idx.msk $0xffff, v8;
	v7 =	vsub.f32 $0.0e+00, v7  }
0x3d: {  	v9 =	vld.idx.msk [tilespmem:v6+s9+$0x0], $0xffff  }
0x3e: {  	v7 =	vmul.f32 $1.442695020e+00, v7;
	_ =	sdelay $0x1  }
0x3f: {  	(erf) = vpow2.f32 v7;
	_ =	sdelay $0x1  }
0x40: {  	v7 =	vand.u32 $0x7FFFFFFF, v9  }
0x41: {  	v7 =	vsub.f32 $0.0e+00, v7;
	_ =	sdelay $0x1  }
0x42: {  	v9 =	vmax.f32 v9, $0.0e+00;
	v7 =	vmul.f32 $1.442695020e+00, v7  }
0x43: {  	v5 =	vmax.f32 v5, $0.0e+00;
	v9 =	vsub.f32 $0.0e+00, v9  }
0x44: {  	v5 =	vsub.f32 $0.0e+00, v5;
	(erf) = vpow2.f32 v7  }
0x45: {  	v9 =	vmul.f32 $1.442695020e+00, v9  }
0x46: {  	v5 =	vmul.f32 $1.442695020e+00, v5;
	v7 =	vpop (erf)  }
0x47: {  	(erf) = vpow2.f32 v9;
	v7 =	vadd.f32 $1.000000000e+00, v7  }
0x48: {  	(erf) = vpow2.f32 v5  }
0x49: {  	(erf) = vrcp.f32 v7;
	_ =	sdelay $0x2  }
0x4a: {  	s30 =	simm.s32 $0x20  }
0x4b: {  	s31 =	simm.s32 $0x30;
	v5 =	vor.u32 s30, v1;
	v7 =	vpop (erf)  }
0x4c: {  	v9 =	vor.u32 s31, v1;
	vm14 =	vlt.s32 v5, $0x64;
	v12 =	vadd.f32 $1.000000000e+00, v7  }
0x4d: {  	v5 =	vnsel vm14, $0x64, v5  }
0x4e: {  	vm15 =	vlt.s32 v9, $0x64;
	v11 =	vpop (erf);
	v7 =	vshll.u32 v5, $0x2  }
0x4f: {  	v5 =	vnsel vm15, $0x64, v9;
	v9 =	vpop (erf);
	(erf) = vrcp.f32 v12  }
0x50: {  	v5 =	vshll.u32 v5, $0x2;
	v12 =	vpop (erf)  }
0x51: {  	v9 =	vmul.f32 v12, v9;
	_ =	sdelay $0x1  }
0x52: {  	v15 =	vor.u32 $0x2, v10;
	v17 =	vmul.f32 v9, v2;
	v2 =	vld.idx.msk [tilespmem:v7+s9+$0x0], $0xffff;
	_ =	sdelay $0x1  }
0x53: {  	v9 =	vld.idx.msk [tilespmem:v5+s9+$0x0], $0xffff;
	_ =	sdelay $0x1  }
0x54: {  	[tilespmem:v4+s13+$0x0] =	vst.idx.msk $0xffff, v17  }
0x55: {  	v13 =	vpop (erf);
	v4 =	vld.idx.msk [tilespmem:v15+s9+$0x0], $0xffff;
	v2 =	vsub.f32 $0.0e+00, v2  }
0x56: {  	v11 =	vmul.f32 v13, v11  }
0x57: {  	v12 =	vor.u32 $0x2, v3;
	v9 =	vsub.f32 $0.0e+00, v9;
	v2 =	vmul.f32 $1.442695020e+00, v2  }
0x58: {  	v16 =	vmul.f32 v11, v8  }
0x59: {  	v9 =	vmul.f32 $1.442695020e+00, v9;
	(erf) = vpow2.f32 v2  }
0x5a: {  	v13 =	vand.u32 $0x7FFFFFFF, v4  }
0x5b: {  	[tilespmem:v6+s13+$0x0] =	vst.idx.msk $0xffff, v16;
	v8 =	vsub.f32 $0.0e+00, v13;
	(erf) = vpow2.f32 v9  }
0x5c: {  	v6 =	vld.idx.msk [tilespmem:v12+s9+$0x0], $0xffff  }
0x5d: {  	v2 =	vmul.f32 $1.442695020e+00, v8;
	_ =	sdelay $0x1  }
0x5e: {  	v14 =	vor.u32 $0x1, v7;
	(erf) = vpow2.f32 v2;
	_ =	sdelay $0x1  }
0x5f: {  	v13 =	vor.u32 $0x1, v5;
	v2 =	vand.u32 $0x7FFFFFFF, v6  }
0x60: {  	v6 =	vmax.f32 v6, $0.0e+00;
	v2 =	vsub.f32 $0.0e+00, v2;
	v19 =	vpop (erf)  }
0x61: {  	v4 =	vmax.f32 v4, $0.0e+00;
	v6 =	vsub.f32 $0.0e+00, v6;
	[tilespmem:v7+s13+$0x0] =	vst.idx.msk $0xffff, v19  }
0x62: {  	v4 =	vsub.f32 $0.0e+00, v4;
	v2 =	vmul.f32 $1.442695020e+00, v2;
	v18 =	vpop (erf);
	v9 =	vld.idx.msk [tilespmem:v14+s9+$0x0], $0xffff  }
0x63: {  	v6 =	vmul.f32 $1.442695020e+00, v6;
	[tilespmem:v5+s13+$0x0] =	vst.idx.msk $0xffff, v18  }
0x64: {  	(erf) = vpow2.f32 v2;
	v8 =	vld.idx.msk [tilespmem:v13+s9+$0x0], $0xffff  }
0x65: {  	v2 =	vmul.f32 $1.442695020e+00, v4;
	(erf) = vpow2.f32 v6  }
0x66: {  	v4 =	vpop (erf)  }
0x67: {  	(erf) = vpow2.f32 v2;
	v4 =	vadd.f32 $1.000000000e+00, v4;
	v2 =	vand.u32 $0x7FFFFFFF, v9  }
0x68: {  	v2 =	vsub.f32 $0.0e+00, v2  }
0x69: {  	(erf) = vrcp.f32 v4;
	v4 =	vand.u32 $0x7FFFFFFF, v8  }
0x6a: {  	v6 =	vmax.f32 v8, $0.0e+00;
	v4 =	vsub.f32 $0.0e+00, v4;
	v2 =	vmul.f32 $1.442695020e+00, v2  }
0x6b: {  	v6 =	vsub.f32 $0.0e+00, v6  }
0x6c: {  	v4 =	vmul.f32 $1.442695020e+00, v4  }
0x6d: {  	v11 =	vpop (erf);
	v6 =	vmul.f32 $1.442695020e+00, v6;
	(erf) = vpow2.f32 v2  }
0x6e: {  	v20 =	vadd.f32 $1.000000000e+00, v11;
	v2 =	vpop (erf);
	(erf) = vpow2.f32 v4  }
0x6f: {  	(erf) = vpow2.f32 v6  }
0x70: {  	(erf) = vrcp.f32 v20;
	_ =	sdelay $0x2  }
0x71: {  	v4 =	vmax.f32 v9, $0.0e+00  }
0x72: {  	v8 =	vor.u32 $0x3, v3;
	v3 =	vpop (erf);
	v4 =	vsub.f32 $0.0e+00, v4  }
0x73: {  	s19 =	simm.s32 $0x2;
	s20 =	simm.s32 $0x50;
	v11 =	vor.u32 $0x2, v5;
	v9 =	vor.u32 $0x3, v5;
	v5 =	vpop (erf)  }
.LBB2_4:
0x74: {  	s21 =	sadd.s32 $0xFFFFFFF0, s20;
	v0 =	vmul.f32 $1.442695020e+00, v4;
	v20 =	vpop (erf);
	v3 =	vmul.f32 v5, v3;
	v6 =	vor.u32 $0x3, v10  }
0x75: {  	v10 =	vor.u32 s20, v1;
	s19 =	sadd.s32 $0x2, s19;
	v23 =	vor.u32 s21, v1;
	v20 =	vadd.f32 $1.000000000e+00, v20;
	v22 =	vpop (erf)  }
0x76: {  	p0 =	slt.u32 s19, $0x4;
	vm0 =	vlt.s32 v23, $0x64;
	(erf) = vpow2.f32 v0;
	v4 =	vpop (erf);
	v21 =	vmul.f32 v3, v17  }
0x77: {  	v3 =	vnsel vm0, $0x64, v23;
	vm0 =	vlt.s32 v10, $0x64;
	(erf) = vrcp.f32 v20;
	v5 =	vpop (erf)  }
0x78: {  	v20 =	vadd.f32 $1.000000000e+00, v22;
	v17 =	vnsel vm0, $0x64, v10;
	[tilespmem:v15+s13+$0x0] =	vst.idx.msk $0xffff, v21;
	v10 =	vmovc v7;
	v7 =	vshll.u32 v3, $0x2  }
0x79: {  	v2 =	vmul.f32 v5, v2;
	v3 =	vshll.u32 v17, $0x2;
	v23 =	vld.idx.msk [tilespmem:v6+s9+$0x0], $0xffff  }
0x7a: {  	v5 =	vor.u32 $0x1, v3;
	v15 =	vor.u32 $0x2, v3;
	(erf) = vrcp.f32 v20  }
0x7b: {  	v20 =	vor.u32 $0x3, v3;
	v22 =	vmul.f32 v2, v16;
	_ =	sdelay $0x1  }
0x7c: {  	v2 =	vld.idx.msk [tilespmem:v7+s9+$0x0], $0xffff;
	[tilespmem:v12+s13+$0x0] =	vst.idx.msk $0xffff, v22;
	v12 =	vmov v11;
	v11 =	vmov v15  }
0x7d: {  	v16 =	vld.idx.msk [tilespmem:v3+s9+$0x0], $0xffff  }
0x7e: {  	v17 =	vand.u32 $0x7FFFFFFF, v23;
	v15 =	vpop (erf);
	v24 =	vld.idx.msk [tilespmem:v8+s9+$0x0], $0xffff  }
0x7f: {  	v17 =	vsub.f32 $0.0e+00, v17;
	v25 =	vpop (erf)  }
0x80: {  	v25 =	vmul.f32 v25, v15;
	v15 =	vor.u32 $0x2, v10  }
0x81: {  	v26 =	vmul.f32 $1.442695020e+00, v17  }
0x82: {  	v2 =	vsub.f32 $0.0e+00, v2;
	v17 =	vmul.f32 v25, v19;
	v19 =	vpop (erf)  }
0x83: {  	v16 =	vsub.f32 $0.0e+00, v16;
	v4 =	vmul.f32 v19, v4;
	(erf) = vpow2.f32 v26  }
0x84: {  	v2 =	vmul.f32 $1.442695020e+00, v2;
	v19 =	vand.u32 $0x7FFFFFFF, v24;
	[tilespmem:v14+s13+$0x0] =	vst.idx.msk $0xffff, v17;
	v14 =	vmax.f32 v24, $0.0e+00  }
0x85: {  	v24 =	vmul.f32 $1.442695020e+00, v16;
	v25 =	vld.idx.msk [tilespmem:v15+s9+$0x0], $0xffff;
	v16 =	vmul.f32 v4, v18;
	v4 =	vsub.f32 $0.0e+00, v19  }
0x86: {  	(erf) = vpow2.f32 v2;
	v2 =	vsub.f32 $0.0e+00, v14  }
0x87: {  	(erf) = vpow2.f32 v24;
	[tilespmem:v13+s13+$0x0] =	vst.idx.msk $0xffff, v16;
	v4 =	vmul.f32 $1.442695020e+00, v4;
	v13 =	vmov v5  }
0x88: {  	v5 =	vld.idx.msk [tilespmem:v12+s9+$0x0], $0xffff;
	v2 =	vmul.f32 $1.442695020e+00, v2  }
0x89: {  	v14 =	vmax.f32 v23, $0.0e+00;
	(erf) = vpow2.f32 v4  }
0x8a: {  	v4 =	vsub.f32 $0.0e+00, v14;
	(erf) = vpow2.f32 v2  }
0x8b: {  	v2 =	vand.u32 $0x7FFFFFFF, v25  }
0x8c: {  	v14 =	vor.u32 $0x1, v7;
	v2 =	vsub.f32 $0.0e+00, v2;
	v4 =	vmul.f32 $1.442695020e+00, v4;
	v18 =	vpop (erf)  }
0x8d: {  	v0 =	vadd.f32 $1.000000000e+00, v18  }
0x8e: {  	v2 =	vmul.f32 $1.442695020e+00, v2;
	v23 =	vand.u32 $0x7FFFFFFF, v5;
	(erf) = vpow2.f32 v4  }
0x8f: {  	v4 =	vmax.f32 v5, $0.0e+00;
	v24 =	vsub.f32 $0.0e+00, v23;
	v19 =	vpop (erf);
	(erf) = vrcp.f32 v0  }
0x90: {  	v4 =	vsub.f32 $0.0e+00, v4;
	[tilespmem:v7+s13+$0x0] =	vst.idx.msk $0xffff, v19;
	v18 =	vpop (erf);
	(erf) = vpow2.f32 v2  }
0x91: {  	v2 =	vmul.f32 $1.442695020e+00, v24;
	v23 =	vld.idx.msk [tilespmem:v14+s9+$0x0], $0xffff;
	[tilespmem:v3+s13+$0x0] =	vst.idx.msk $0xffff, v18  }
0x92: {  	v4 =	vmul.f32 $1.442695020e+00, v4;
	v3 =	vld.idx.msk [tilespmem:v13+s9+$0x0], $0xffff;
	v5 =	vpop (erf)  }
0x93: {  	(erf) = vpow2.f32 v2;
	v2 =	vadd.f32 $1.000000000e+00, v5;
	v5 =	vpop (erf)  }
0x94: {  	(erf) = vpow2.f32 v4  }
0x95: {  	(erf) = vrcp.f32 v2  }
0x96: {  	v2 =	vmax.f32 v25, $0.0e+00  }
0x97: {  	v4 =	vand.u32 $0x7FFFFFFF, v23;
	v2 =	vsub.f32 $0.0e+00, v2;
	v24 =	vpop (erf)  }
0x98: {  	v4 =	vsub.f32 $0.0e+00, v4;
	v25 =	vmax.f32 v3, $0.0e+00;
	v3 =	vand.u32 $0x7FFFFFFF, v3;
	v26 =	vpop (erf)  }
0x99: {  	v3 =	vsub.f32 $0.0e+00, v3;
	v0 =	vmul.f32 $1.442695020e+00, v2;
	v27 =	vpop (erf);
	v24 =	vmul.f32 v26, v24  }
0x9a: {  	v25 =	vsub.f32 $0.0e+00, v25;
	v4 =	vmul.f32 $1.442695020e+00, v4;
	v26 =	vadd.f32 $1.000000000e+00, v27  }
0x9b: {  	(erf) = vpow2.f32 v0;
	v21 =	vmul.f32 v24, v21  }
0x9c: {  	v0 =	vmul.f32 $1.442695020e+00, v3;
	(erf) = vrcp.f32 v26;
	v2 =	vpop (erf)  }
0x9d: {  	v24 =	vmul.f32 $1.442695020e+00, v25;
	(erf) = vpow2.f32 v4;
	v4 =	vadd.f32 $1.000000000e+00, v2;
	v2 =	vpop (erf);
	[tilespmem:v6+s13+$0x0] =	vst.idx.msk $0xffff, v21  }
0x9e: {  	(erf) = vpow2.f32 v0;
	v3 =	vpop (erf)  }
0x9f: {  	(erf) = vpow2.f32 v24;
	v3 =	vmul.f32 v3, v5  }
0xa0: {  	(erf) = vrcp.f32 v4  }
.Ltmp1:
0xa1: {  	v0 =	vmul.f32 v3, v22;
	(pc) =	sbr.rel @p0 .LBB2_4-.Ltmp1, $4  }
0xa2: {  	_ = 	snop  }
0xa3: {  	v4 =	vmax.f32 v23, $0.0e+00;
	[tilespmem:v8+s13+$0x0] =	vst.idx.msk $0xffff, v0;
	v8 =	vmov v9;
	v9 =	vmov v20  }
0xa4: {  	v4 =	vsub.f32 $0.0e+00, v4;
	v3 =	vpop (erf)  }
0xa5: {  	s20 =	sadd.s32 $0x20, s20;
	v5 =	vpop (erf)  }
0xa6: {  	v4 =	vmul.f32 $1.442695020e+00, v4;
	v6 =	vpop (erf);
	v3 =	vmul.f32 v5, v3;
	v5 =	vor.u32 $0x3, v10  }
0xa7: {  	v6 =	vadd.f32 $1.000000000e+00, v6;
	v10 =	vpop (erf)  }
0xa8: {  	(erf) = vpow2.f32 v4;
	v3 =	vmul.f32 v3, v17;
	v4 =	vadd.f32 $1.000000000e+00, v10  }
0xa9: {  	(erf) = vrcp.f32 v6  }
0xaa: {  	[tilespmem:v15+s13+$0x0] =	vst.idx.msk $0xffff, v3;
	(erf) = vrcp.f32 v4  }
0xab: {  	v4 =	vld.idx.msk [tilespmem:v5+s9+$0x0], $0xffff  }
0xac: {  	v6 =	vpop (erf)  }
0xad: {  	v10 =	vpop (erf)  }
0xae: {  	v2 =	vmul.f32 v10, v2;
	_ =	sdelay $0x1  }
0xaf: {  	v2 =	vmul.f32 v2, v16;
	v10 =	vand.u32 $0x7FFFFFFF, v4  }
0xb0: {  	v15 =	vpop (erf);
	v10 =	vsub.f32 $0.0e+00, v10  }
0xb1: {  	[tilespmem:v12+s13+$0x0] =	vst.idx.msk $0xffff, v2;
	v12 =	vpop (erf)  }
0xb2: {  	v16 =	vld.idx.msk [tilespmem:v8+s9+$0x0], $0xffff;
	v12 =	vmul.f32 v12, v15;
	v15 =	vor.u32 $0x2, v7;
	v10 =	vmul.f32 $1.442695020e+00, v10;
	v17 =	vpop (erf)  }
0xb3: {  	v6 =	vmul.f32 v17, v6  }
0xb4: {  	v12 =	vmul.f32 v12, v19;
	(erf) = vpow2.f32 v10  }
0xb5: {  	v6 =	vmul.f32 v6, v18  }
0xb6: {  	[tilespmem:v14+s13+$0x0] =	vst.idx.msk $0xffff, v12  }
0xb7: {  	v10 =	vand.u32 $0x7FFFFFFF, v16;
	v14 =	vld.idx.msk [tilespmem:v15+s9+$0x0], $0xffff;
	[tilespmem:v13+s13+$0x0] =	vst.idx.msk $0xffff, v6  }
0xb8: {  	v10 =	vsub.f32 $0.0e+00, v10;
	v13 =	vld.idx.msk [tilespmem:v11+s9+$0x0], $0xffff  }
0xb9: {  	v16 =	vmax.f32 v16, $0.0e+00  }
0xba: {  	v4 =	vmax.f32 v4, $0.0e+00;
	v16 =	vsub.f32 $0.0e+00, v16;
	v10 =	vmul.f32 $1.442695020e+00, v10  }
0xbb: {  	v4 =	vsub.f32 $0.0e+00, v4  }
0xbc: {  	v16 =	vmul.f32 $1.442695020e+00, v16;
	(erf) = vpow2.f32 v10;
	v10 =	vand.u32 $0x7FFFFFFF, v14  }
0xbd: {  	v4 =	vmul.f32 $1.442695020e+00, v4;
	v10 =	vsub.f32 $0.0e+00, v10;
	v17 =	vpop (erf);
	v18 =	vand.u32 $0x7FFFFFFF, v13  }
0xbe: {  	(erf) = vpow2.f32 v16;
	v16 =	vadd.f32 $1.000000000e+00, v17;
	v17 =	vsub.f32 $0.0e+00, v18  }
0xbf: {  	(erf) = vpow2.f32 v4;
	v10 =	vmul.f32 $1.442695020e+00, v10  }
0xc0: {  	(erf) = vrcp.f32 v16;
	v4 =	vmul.f32 $1.442695020e+00, v17  }
0xc1: {  	(erf) = vpow2.f32 v10  }
0xc2: {  	(erf) = vpow2.f32 v4;
	_ =	sdelay $0x2  }
0xc3: {  	v14 =	vmax.f32 v14, $0.0e+00;
	v4 =	vmax.f32 v13, $0.0e+00  }
0xc4: {  	v14 =	vsub.f32 $0.0e+00, v14;
	v4 =	vsub.f32 $0.0e+00, v4;
	v10 =	vpop (erf)  }
0xc5: {  	v13 =	vpop (erf)  }
0xc6: {  	v4 =	vmul.f32 $1.442695020e+00, v4;
	v16 =	vpop (erf)  }
0xc7: {  	v10 =	vadd.f32 $1.000000000e+00, v10;
	v17 =	vpop (erf)  }
0xc8: {  	(erf) = vpow2.f32 v4;
	v4 =	vmul.f32 $1.442695020e+00, v14;
	v14 =	vpop (erf)  }
0xc9: {  	(erf) = vrcp.f32 v10;
	v10 =	vadd.f32 $1.000000000e+00, v14;
	v14 =	vpop (erf)  }
0xca: {  	(erf) = vpow2.f32 v4;
	v4 =	vadd.f32 $1.000000000e+00, v14  }
0xcb: {  	(erf) = vrcp.f32 v10  }
0xcc: {  	(erf) = vrcp.f32 v4;
	_ =	sdelay $0x4  }
0xcd: {  	v4 =	vpop (erf)  }
0xce: {  	v10 =	vpop (erf)  }
0xcf: {  	v14 =	vpop (erf)  }
0xd0: {  	v18 =	vpop (erf)  }
0xd1: {  	v7 =	vor.u32 $0x3, v7;
	v14 =	vmul.f32 v18, v14;
	v18 =	vpop (erf)  }
0xd2: {  	v4 =	vmul.f32 v18, v4  }
0xd3: {  	v12 =	vmul.f32 v14, v12  }
0xd4: {  	v4 =	vmul.f32 v4, v6  }
0xd5: {  	[tilespmem:v15+s13+$0x0] =	vst.idx.msk $0xffff, v12  }
0xd6: {  	v6 =	vld.idx.msk [tilespmem:v7+s9+$0x0], $0xffff;
	[tilespmem:v11+s13+$0x0] =	vst.idx.msk $0xffff, v4  }
0xd7: {  	v11 =	vld.idx.msk [tilespmem:v9+s9+$0x0], $0xffff;
	_ =	sdelay $0x3  }
0xd8: {  	v14 =	vand.u32 $0x7FFFFFFF, v6  }
0xd9: {  	v14 =	vsub.f32 $0.0e+00, v14;
	v15 =	vand.u32 $0x7FFFFFFF, v11  }
0xda: {  	v15 =	vsub.f32 $0.0e+00, v15  }
0xdb: {  	v14 =	vmul.f32 $1.442695020e+00, v14  }
0xdc: {  	v15 =	vmul.f32 $1.442695020e+00, v15  }
0xdd: {  	(erf) = vpow2.f32 v14  }
0xde: {  	(erf) = vpow2.f32 v15;
	_ =	sdelay $0x3  }
0xdf: {  	v11 =	vmax.f32 v11, $0.0e+00  }
0xe0: {  	v6 =	vmax.f32 v6, $0.0e+00;
	v11 =	vsub.f32 $0.0e+00, v11  }
0xe1: {  	v6 =	vsub.f32 $0.0e+00, v6  }
0xe2: {  	v11 =	vmul.f32 $1.442695020e+00, v11  }
0xe3: {  	v6 =	vmul.f32 $1.442695020e+00, v6;
	v14 =	vpop (erf)  }
0xe4: {  	(erf) = vpow2.f32 v11;
	v11 =	vadd.f32 $1.000000000e+00, v14;
	v14 =	vpop (erf)  }
0xe5: {  	(erf) = vpow2.f32 v6;
	v6 =	vadd.f32 $1.000000000e+00, v14  }
0xe6: {  	(erf) = vrcp.f32 v11  }
0xe7: {  	(erf) = vrcp.f32 v6;
	_ =	sdelay $0x5  }
0xe8: {  	v6 =	vpop (erf)  }
0xe9: {  	v11 =	vmul.f32 v17, v16;
	v14 =	vpop (erf)  }
0xea: {  	v10 =	vmul.f32 v10, v13;
	v13 =	vpop (erf)  }
0xeb: {  	v3 =	vmul.f32 v11, v3;
	v11 =	vmul.f32 v13, v14;
	v13 =	vpop (erf)  }
0xec: {  	v2 =	vmul.f32 v10, v2;
	v6 =	vmul.f32 v13, v6  }
0xed: {  	[tilespmem:v5+s13+$0x0] =	vst.idx.msk $0xffff, v3;
	v3 =	vmul.f32 v11, v12  }
0xee: {  	[tilespmem:v8+s13+$0x0] =	vst.idx.msk $0xffff, v2;
	v2 =	vmul.f32 v6, v4  }
0xef: {  	[tilespmem:v7+s13+$0x0] =	vst.idx.msk $0xffff, v3  }
0xf0: {  	[tilespmem:v9+s13+$0x0] =	vst.idx.msk $0xffff, v2  }
0xf1: {  	v0 =	vld [tilespmem:$0x1FFB0];
	_ =	sdelay $0x7  }
0xf2: {  	v2 =	vld.idx.msk [tilespmem:v0+s9+$0x0], $0xffff;
	_ =	sdelay $0x4  }
0xf3: {  	v2 =	vsub.f32 $0.0e+00, v2;
	_ =	sdelay $0x1  }
0xf4: {  	v2 =	vmul.f32 $1.442695020e+00, v2;
	_ =	sdelay $0x1  }
0xf5: {  	(erf) = vpow2.f32 v2;
	_ =	sdelay $0x8  }
0xf6: {  	v2 =	vpop (erf)  }
0xf7: {  	[tilespmem:v0+s13+$0x0] =	vst.idx.msk $0xffff, v2;
	v0 =	vld [tilespmem:$0x1FFC0];
	_ =	sdelay $0x7  }
0xf8: {  	v3 =	vld.idx.msk [tilespmem:v0+s9+$0x0], $0xffff;
	_ =	sdelay $0x4  }
0xf9: {  	v4 =	vmax.f32 v3, $0.0e+00  }
0xfa: {  	v3 =	vand.u32 $0x7FFFFFFF, v3;
	v4 =	vsub.f32 $0.0e+00, v4  }
0xfb: {  	v3 =	vsub.f32 $0.0e+00, v3  }
0xfc: {  	v4 =	vmul.f32 $1.442695020e+00, v4  }
0xfd: {  	v3 =	vmul.f32 $1.442695020e+00, v3  }
0xfe: {  	(erf) = vpow2.f32 v4  }
0xff: {  	(erf) = vpow2.f32 v3;
	_ =	sdelay $0x7  }
0x100: {  	v3 =	vpop (erf)  }
0x101: {  	v4 =	vpop (erf)  }
0x102: {  	v4 =	vadd.f32 $1.000000000e+00, v4;
	_ =	sdelay $0x1  }
0x103: {  	(erf) = vrcp.f32 v4;
	_ =	sdelay $0x8  }
0x104: {  	v4 =	vpop (erf)  }
0x105: {  	v3 =	vmul.f32 v4, v3;
	_ =	sdelay $0x1  }
0x106: {  	v2 =	vmul.f32 v3, v2;
	_ =	sdelay $0x1  }
0x107: {  	[tilespmem:v0+s13+$0x0] =	vst.idx.msk $0xffff, v2;
	v0 =	vld [tilespmem:$0x1FFD0];
	_ =	sdelay $0x7  }
0x108: {  	v3 =	vld.idx.msk [tilespmem:v0+s9+$0x0], $0xffff;
	_ =	sdelay $0x4  }
0x109: {  	v4 =	vmax.f32 v3, $0.0e+00  }
0x10a: {  	v3 =	vand.u32 $0x7FFFFFFF, v3;
	v4 =	vsub.f32 $0.0e+00, v4  }
0x10b: {  	v3 =	vsub.f32 $0.0e+00, v3  }
0x10c: {  	v4 =	vmul.f32 $1.442695020e+00, v4  }
0x10d: {  	v3 =	vmul.f32 $1.442695020e+00, v3  }
0x10e: {  	(erf) = vpow2.f32 v4  }
0x10f: {  	(erf) = vpow2.f32 v3;
	_ =	sdelay $0x7  }
0x110: {  	v3 =	vpop (erf)  }
0x111: {  	v4 =	vpop (erf)  }
0x112: {  	v4 =	vadd.f32 $1.000000000e+00, v4;
	_ =	sdelay $0x1  }
0x113: {  	(erf) = vrcp.f32 v4;
	_ =	sdelay $0x8  }
0x114: {  	v4 =	vpop (erf)  }
0x115: {  	v3 =	vmul.f32 v4, v3;
	_ =	sdelay $0x1  }
0x116: {  	v2 =	vmul.f32 v3, v2;
	_ =	sdelay $0x1  }
0x117: {  	[tilespmem:v0+s13+$0x0] =	vst.idx.msk $0xffff, v2;
	v0 =	vld [tilespmem:$0x1FFE0];
	_ =	sdelay $0x7  }
0x118: {  	v3 =	vld.idx.msk [tilespmem:v0+s9+$0x0], $0xffff;
	_ =	sdelay $0x4  }
0x119: {  	v4 =	vmax.f32 v3, $0.0e+00  }
0x11a: {  	v3 =	vand.u32 $0x7FFFFFFF, v3;
	v4 =	vsub.f32 $0.0e+00, v4  }
0x11b: {  	v3 =	vsub.f32 $0.0e+00, v3  }
0x11c: {  	v4 =	vmul.f32 $1.442695020e+00, v4  }
0x11d: {  	v3 =	vmul.f32 $1.442695020e+00, v3  }
0x11e: {  	(erf) = vpow2.f32 v4  }
0x11f: {  	(erf) = vpow2.f32 v3;
	_ =	sdelay $0x7  }
0x120: {  	v3 =	vpop (erf)  }
0x121: {  	v4 =	vpop (erf)  }
0x122: {  	v4 =	vadd.f32 $1.000000000e+00, v4;
	_ =	sdelay $0x1  }
0x123: {  	(erf) = vrcp.f32 v4;
	_ =	sdelay $0x8  }
0x124: {  	v4 =	vpop (erf)  }
0x125: {  	v3 =	vmul.f32 v4, v3;
	_ =	sdelay $0x1  }
0x126: {  	v2 =	vmul.f32 v3, v2;
	_ =	sdelay $0x1  }
0x127: {  	[tilespmem:v0+s13+$0x0] =	vst.idx.msk $0xffff, v2  }
0x128: {  	_ =	swait.ge [sflag:s14], $0x200  }
0x129: {  	[sflag:s14] =	ssyncset.done $0x0  }
0x12a: {  	[sflag:s14] =	ssyncadd.s32 $0xFFFFFE00  }
0x12b: {  	_ =	swait.ge [sflag:s14], $0x200  }
0x12c: {  	[sflag:s14] =	ssyncset.done $0x0  }
0x12d: {  	[sflag:s14] =	ssyncadd.s32 $0xFFFFFE00  }
0x12e: {  	_ =	swait.ge [sflag:s14], $0x200  }
0x12f: {  	[sflag:s14] =	ssyncset.done $0x0  }
0x130: {  	s19 =	simm.s32 $0x410;
	[sflag:s14] =	ssyncadd.s32 $0xFFFFFE00  }
0x131: {  	v2 =	vld [tilespmem:s19+$0xFFFFFFF0]  }
0x132: {  	s20 =	simm.s32 $0x10;
	v3 =	vld [tilespmem:s19+$0x0]  }
0x133: {  	v9 =	vld [tilespmem:s20+$0xFFFFFFF0]  }
0x134: {  	v8 =	vld [tilespmem:s20+$0x0];
	_ =	sdelay $0x1  }
0x135: {  	vm0 =	vgt.s32 v2, $0x0  }
0x136: {  	vm1 =	vgt.s32 v3, $0x0;
	v2 =	vnsel vm0, $0x0, v2  }
0x137: {  	v3 =	vnsel vm1, $0x0, v3;
	v17 =	vmin.u32 v2, $0x64;
	v2 =	vmul.f32 $1.442695020e+00, v9  }
0x138: {  	v4 =	vmul.f32 $1.442695020e+00, v8;
	v16 =	vmin.u32 v3, $0x64;
	v3 =	vshll.u32 v17, $0x2  }
0x139: {  	v5 =	vshll.u32 v16, $0x2;
	v6 =	vor.u32 $0x1, v3;
	(erf) = vpow2.f32 v2  }
0x13a: {  	v2 =	vor.u32 $0x1, v5;
	(erf) = vpow2.f32 v4;
	_ =	sdelay $0x2  }
0x13b: {  	v4 =	vor.u32 $0x2, v3  }
0x13c: {  	v7 =	vor.u32 $0x2, v5;
	v6 =	vld.idx.msk [tilespmem:v6+s13+$0x0], $0xffff  }
0x13d: {  	v10 =	vor.u32 $0x3, v3;
	v2 =	vld.idx.msk [tilespmem:v2+s13+$0x0], $0xffff  }
0x13e: {  	v11 =	vor.u32 $0x3, v5;
	v3 =	vld.idx.msk [tilespmem:v3+s13+$0x0], $0xffff  }
0x13f: {  	v5 =	vld.idx.msk [tilespmem:v5+s13+$0x0], $0xffff  }
0x140: {  	v4 =	vld.idx.msk [tilespmem:v4+s13+$0x0], $0xffff;
	v12 =	vpop (erf)  }
0x141: {  	v7 =	vld.idx.msk [tilespmem:v7+s13+$0x0], $0xffff;
	v6 =	vmul.f32 v6, v12;
	v13 =	vpop (erf)  }
0x142: {  	v10 =	vld.idx.msk [tilespmem:v10+s13+$0x0], $0xffff;
	v2 =	vmul.f32 v2, v13  }
0x143: {  	v11 =	vld.idx.msk [tilespmem:v11+s13+$0x0], $0xffff;
	v3 =	vmul.f32 v3, v12;
	v6 =	vadd.f32 $1.000000000e+00, v6  }
0x144: {  	v5 =	vmul.f32 v5, v13;
	v2 =	vadd.f32 $1.000000000e+00, v2  }
0x145: {  	v4 =	vmul.f32 v4, v12;
	v3 =	vadd.f32 $1.000000000e+00, v3;
	(erf) = vrcp.f32 v6  }
0x146: {  	v5 =	vadd.f32 $1.000000000e+00, v5;
	v6 =	vmul.f32 v7, v13;
	(erf) = vrcp.f32 v2  }
0x147: {  	v2 =	vadd.f32 $1.000000000e+00, v4;
	v4 =	vmul.f32 v10, v12;
	(erf) = vrcp.f32 v3  }
0x148: {  	v3 =	vadd.f32 $1.000000000e+00, v6;
	v6 =	vmul.f32 v11, v13;
	(erf) = vrcp.f32 v5  }
0x149: {  	v4 =	vadd.f32 $1.000000000e+00, v4;
	(erf) = vrcp.f32 v2  }
0x14a: {  	v2 =	vadd.f32 $1.000000000e+00, v6;
	(erf) = vrcp.f32 v3  }
0x14b: {  	(erf) = vrcp.f32 v4;
	_ =	sdelay $0x1  }
0x14c: {  	(erf) = vrcp.f32 v2  }
0x14d: {  	v2 =	vpop (erf)  }
0x14e: {  	v3 =	vpop (erf)  }
0x14f: {  	v4 =	vpop (erf)  }
0x150: {  	v5 =	vsub.f32 v2, v4;
	v6 =	vpop (erf)  }
0x151: {  	v4 =	vmax.f32 v4, $0.0e+00;
	v7 =	vsub.f32 v3, v6;
	v10 =	vpop (erf)  }
0x152: {  	v6 =	vmax.f32 v6, $0.0e+00;
	v2 =	vsub.f32 v10, v2;
	v5 =	vmax.f32 v5, $0.0e+00;
	v11 =	vpop (erf)  }
0x153: {  	v12 =	vadd.f32 v5, v4;
	v3 =	vsub.f32 v11, v3;
	v7 =	vmax.f32 v7, $0.0e+00;
	v13 =	vpop (erf)  }
0x154: {  	v10 =	vsub.f32 v13, v10;
	v2 =	vmax.f32 v2, $0.0e+00;
	v14 =	vadd.f32 v7, v6  }
0x155: {  	v15 =	vpop (erf);
	v13 =	vsub.f32 $1.000000000e+00, v13;
	v12 =	vadd.f32 v2, v12  }
0x156: {  	v11 =	vsub.f32 v15, v11;
	v3 =	vmax.f32 v3, $0.0e+00;
	v10 =	vmax.f32 v10, $0.0e+00  }
0x157: {  	v14 =	vadd.f32 v3, v14;
	v12 =	vadd.f32 v10, v12  }
0x158: {  	v15 =	vsub.f32 $1.000000000e+00, v15;
	v13 =	vmax.f32 v13, $0.0e+00;
	v11 =	vmax.f32 v11, $0.0e+00  }
0x159: {  	v14 =	vadd.f32 v11, v14;
	v12 =	vadd.f32 v12, v13  }
0x15a: {  	v15 =	vmax.f32 v15, $0.0e+00  }
0x15b: {  	v14 =	vadd.f32 v14, v15;
	v12 =	vmax.f32 v12, $9.999999970e-07  }
0x15c: {  	(erf) = vrcp.f32 v12  }
0x15d: {  	v14 =	vmax.f32 v14, $9.999999970e-07  }
0x15e: {  	(erf) = vrcp.f32 v14;
	_ =	sdelay $0x6  }
0x15f: {  	v12 =	vpop (erf)  }
0x160: {  	v4 =	vmul.f32 v12, v4  }
0x161: {  	v5 =	vmul.f32 v12, v5;
	v14 =	vpop (erf);
	v20 =	vmul.f32 v12, v2  }
0x162: {  	v23 =	vmul.f32 v12, v10;
	v18 =	vmul.f32 v14, v6  }
0x163: {  	v7 =	vmul.f32 v14, v7;
	v3 =	vmul.f32 v14, v3;
	v6 =	vsub.f32 $5.000000070e-02, v4  }
0x164: {  	v11 =	vmul.f32 v14, v11;
	v19 =	vsub.f32 $5.000000070e-02, v5;
	v22 =	vsub.f32 $5.000000070e-02, v20  }
0x165: {  	v2 =	vsub.f32 $5.000000070e-02, v18;
	v21 =	vsub.f32 $5.000000070e-02, v7;
	v6 =	vmul.f32 $9.090909000e+00, v6  }
0x166: {  	v10 =	vsub.f32 $5.000000070e-02, v3;
	v19 =	vmul.f32 $9.090909000e+00, v19;
	v22 =	vmul.f32 $9.090909000e+00, v22  }
0x167: {  	v2 =	vmul.f32 $9.090909000e+00, v2;
	v6 =	vmul.f32 $1.442695020e+00, v6  }
0x168: {  	v21 =	vmul.f32 $9.090909000e+00, v21;
	v10 =	vmul.f32 $9.090909000e+00, v10  }
0x169: {  	v19 =	vmul.f32 $1.442695020e+00, v19;
	(erf) = vpow2.f32 v6  }
0x16a: {  	v24 =	vmul.f32 $1.442695020e+00, v2;
	v21 =	vmul.f32 $1.442695020e+00, v21  }
0x16b: {  	v2 =	vmul.f32 v12, v13;
	(erf) = vpow2.f32 v19  }
0x16c: {  	s30 =	simm.s32 $0x210;
	v12 =	vsub.f32 $5.000000070e-02, v23;
	v10 =	vmul.f32 $1.442695020e+00, v10;
	v6 =	vmul.f32 v14, v15  }
0x16d: {  	v13 =	vsub.f32 $5.000000070e-02, v11;
	v14 =	vmul.f32 $1.442695020e+00, v22;
	v15 =	vld [tilespmem:s30+$0xFFFFFFF0];
	(erf) = vpow2.f32 v24  }
0x16e: {  	v12 =	vmul.f32 $9.090909000e+00, v12;
	(erf) = vpow2.f32 v21  }
0x16f: {  	v19 =	vsub.f32 $5.000000070e-02, v2;
	v13 =	vmul.f32 $9.090909000e+00, v13;
	(erf) = vpow2.f32 v14  }
0x170: {  	v21 =	vsub.f32 $5.000000070e-02, v6;
	v12 =	vmul.f32 $1.442695020e+00, v12;
	(erf) = vpow2.f32 v10  }
0x171: {  	v13 =	vmul.f32 $1.442695020e+00, v13;
	v14 =	vld [tilespmem:s30+$0x0];
	v10 =	vmul.f32 $9.090909000e+00, v19  }
0x172: {  	v19 =	vmul.f32 $9.090909000e+00, v21;
	(erf) = vpow2.f32 v12;
	v12 =	vsub.f32 v9, v15;
	v15 =	vpop (erf)  }
0x173: {  	v10 =	vmul.f32 $1.442695020e+00, v10;
	v15 =	vadd.f32 $1.000000000e+00, v15  }
0x174: {  	(erf) = vpow2.f32 v13;
	v13 =	vmul.f32 $1.442695020e+00, v19;
	v21 =	vpop (erf)  }
0x175: {  	v19 =	vimm.f32 $0.0e+00;
	(erf) = vpow2.f32 v10;
	v21 =	vadd.f32 $1.000000000e+00, v21  }
0x176: {  	s31 =	simm.s32 $0x430;
	v12 =	vmul.f32 v12, v12;
	v14 =	vsub.f32 v8, v14;
	(erf) = vpow2.f32 v13;
	v22 =	vpop (erf)  }
0x177: {  	v10 =	vld [tilespmem:s31+$0xFFFFFFF0];
	(erf) = vrcp.f32 v15;
	v15 =	vpop (erf)  }
0x178: {  	v13 =	vld [tilespmem:s31+$0x0];
	v12 =	vadd.f32 v12, v19;
	v14 =	vmul.f32 v14, v14;
	v19 =	vpop (erf)  }
0x179: {  	v22 =	vadd.f32 $1.000000000e+00, v22;
	(erf) = vrcp.f32 v21;
	v15 =	vadd.f32 $1.000000000e+00, v15;
	v21 =	vpop (erf)  }
0x17a: {  	v12 =	vadd.f32 v14, v12;
	v14 =	vadd.f32 $1.000000000e+00, v21  }
0x17b: {  	(erf) = vrcp.f32 v22;
	v19 =	vadd.f32 $1.000000000e+00, v19  }
0x17c: {  	(erf) = vrcp.f32 v15  }
0x17d: {  	vm12 =	vgt.s32 v10, $0x0;
	vm13 =	vgt.s32 v13, $0x0;
	(erf) = vrcp.f32 v19;
	v15 =	vpop (erf)  }
0x17e: {  	v10 =	vnsel vm12, $0x0, v10;
	v13 =	vnsel vm13, $0x0, v13;
	(erf) = vrcp.f32 v14;
	v14 =	vpop (erf)  }
0x17f: {  	v19 =	vadd.f32 $1.000000000e+00, v15;
	v15 =	vmin.u32 v10, $0x64;
	v10 =	vadd.f32 $1.000000000e+00, v14;
	_ =	sdelay $0x1  }
0x180: {  	v22 =	vshll.u32 v15, $0x2;
	v21 =	vpop (erf);
	(erf) = vrcp.f32 v19  }
0x181: {  	v14 =	vmin.u32 v13, $0x64;
	v24 =	vor.u32 $0x3, v22;
	v13 =	vpop (erf);
	(erf) = vrcp.f32 v10  }
0x182: {  	v26 =	vor.u32 $0x2, v22;
	v19 =	vshll.u32 v14, $0x2;
	v21 =	vadd.f32 $1.000000000e+00, v21;
	v10 =	vpop (erf)  }
0x183: {  	s19 =	simm.s32 $0x230;
	v25 =	vor.u32 $0x3, v19;
	v13 =	vadd.f32 $1.000000000e+00, v13;
	v4 =	vmul.f32 v10, v4;
	v10 =	vpop (erf)  }
0x184: {  	s20 =	simm.s32 $0x30;
	v27 =	vld [tilespmem:s19+$0xFFFFFFF0];
	v30 =	vor.u32 $0x2, v19;
	(erf) = vrcp.f32 v21;
	v5 =	vmul.f32 v10, v5;
	v10 =	vpop (erf)  }
0x185: {  	(erf) = vrcp.f32 v13;
	v13 =	vld [tilespmem:s20+$0xFFFFFFF0];
	v4 =	vmax.f32 v4, $9.999999970e-07;
	v10 =	vmul.f32 v10, v18;
	v18 =	vpop (erf)  }
0x186: {  	v32 =	vld [tilespmem:s19+$0x0];
	v21 =	vmul.f32 v4, v4;
	v5 =	vmax.f32 v5, $9.999999970e-07;
	v7 =	vmul.f32 v18, v7;
	v18 =	vpop (erf)  }
0x187: {  	v28 =	vmul.f32 v5, v5;
	v29 =	vmax.f32 v10, $9.999999970e-07;
	v18 =	vmul.f32 v18, v20;
	v20 =	vpop (erf);
	v10 =	vld [tilespmem:s20+$0x0]  }
0x188: {  	v31 =	vmul.f32 v29, v29;
	v33 =	vmax.f32 v7, $9.999999970e-07;
	v3 =	vmul.f32 v20, v3  }
0x189: {  	v35 =	vor.u32 $0x1, v19;
	v7 =	vmul.f32 v21, v21;
	v34 =	vpop (erf);
	v21 =	vmul.f32 v33, v33  }
0x18a: {  	v28 =	vmul.f32 v28, v28;
	v23 =	vmul.f32 v34, v23;
	v52 =	vpop (erf);
	v27 =	vsub.f32 v13, v27  }
0x18b: {  	v20 =	vor.u32 $0x1, v22;
	v36 =	vmul.f32 $1.442695020e+00, v13;
	v11 =	vmul.f32 v52, v11  }
0x18c: {  	v27 =	vmul.f32 v27, v27;
	v53 =	vmul.f32 $1.442695020e+00, v10;
	v32 =	vsub.f32 v10, v32  }
0x18d: {  	v18 =	vmax.f32 v18, $9.999999970e-07;
	v31 =	vmul.f32 v31, v31;
	(erf) = vpow2.f32 v36  }
0x18e: {  	s21 =	simm.s32 $0x450;
	v12 =	vadd.f32 v27, v12;
	(erf) = vpow2.f32 v53;
	v32 =	vmul.f32 v32, v32  }
0x18f: {  	v55 =	vld [tilespmem:s21+$0xFFFFFFF0];
	v3 =	vmax.f32 v3, $9.999999970e-07;
	v37 =	vmul.f32 v18, v18;
	v4 =	vmul.f32 v7, v4  }
0x190: {  	v19 =	vld.idx.msk [tilespmem:v19+s13+$0x0], $0xffff;
	v21 =	vmul.f32 v21, v21;
	v27 =	vmul.f32 v3, v3;
	v0 =	vadd.f32 v32, v12  }
0x191: {  	v22 =	vld.idx.msk [tilespmem:v22+s13+$0x0], $0xffff;
	v23 =	vmax.f32 v23, $9.999999970e-07;
	v5 =	vmul.f32 v28, v5;
	v28 =	vmul.f32 v31, v29  }
0x192: {  	v54 =	vpop (erf);
	v31 =	vmul.f32 v23, v23;
	v20 =	vld.idx.msk [tilespmem:v20+s13+$0x0], $0xffff;
	v27 =	vmul.f32 v27, v27;
	[tilespmem:$0x1FF70] =	vst v0  }
0x193: {  	v11 =	vmax.f32 v11, $9.999999970e-07;
	v2 =	vmul.f32 v54, v2;
	v56 =	vpop (erf);
	v21 =	vmul.f32 v21, v33;
	v29 =	vld.idx.msk [tilespmem:v35+s13+$0x0], $0xffff  }
0x194: {  	v57 =	vmul.f32 v11, v11;
	v6 =	vmul.f32 v56, v6;
	v26 =	vld.idx.msk [tilespmem:v26+s13+$0x0], $0xffff  }
0x195: {  	v31 =	vmul.f32 v31, v31;
	v2 =	vmax.f32 v2, $9.999999970e-07;
	v12 =	vmul.f32 v37, v37;
	v30 =	vld.idx.msk [tilespmem:v30+s13+$0x0], $0xffff  }
0x196: {  	v33 =	vadd.f32 v21, v28;
	v59 =	vmul.f32 v2, v2;
	v58 =	vmul.f32 v27, v3;
	v24 =	vld.idx.msk [tilespmem:v24+s13+$0x0], $0xffff;
	v27 =	vpop (erf)  }
0x197: {  	v6 =	vmax.f32 v6, $9.999999970e-07;
	v32 =	vmul.f32 v57, v57;
	v25 =	vld.idx.msk [tilespmem:v25+s13+$0x0], $0xffff;
	v20 =	vmul.f32 v20, v27;
	v60 =	vpop (erf)  }
0x198: {  	v18 =	vmul.f32 v12, v18;
	v12 =	vadd.f32 v5, v4;
	v29 =	vmul.f32 v29, v60  }
0x199: {  	v22 =	vmul.f32 v22, v27;
	v20 =	vadd.f32 $1.000000000e+00, v20;
	v19 =	vmul.f32 v19, v60  }
0x19a: {  	v26 =	vmul.f32 v26, v27;
	v30 =	vmul.f32 v30, v60;
	v29 =	vadd.f32 $1.000000000e+00, v29  }
0x19b: {  	v22 =	vadd.f32 $1.000000000e+00, v22;
	v24 =	vmul.f32 v24, v27;
	(erf) = vrcp.f32 v20  }
0x19c: {  	v25 =	vmul.f32 v25, v60;
	v19 =	vadd.f32 $1.000000000e+00, v19;
	(erf) = vrcp.f32 v29  }
0x19d: {  	v27 =	vadd.f32 $1.000000000e+00, v30;
	v30 =	vmul.f32 v32, v11;
	(erf) = vrcp.f32 v22  }
0x19e: {  	v26 =	vadd.f32 $1.000000000e+00, v26;
	v22 =	vmul.f32 v6, v6;
	(erf) = vrcp.f32 v19  }
0x19f: {  	v20 =	vld [tilespmem:s21+$0x0];
	v19 =	vmul.f32 v31, v23;
	v23 =	vadd.f32 $1.000000000e+00, v24;
	v24 =	vmul.f32 v59, v59  }
0x1a0: {  	v33 =	vadd.f32 v33, v58;
	(erf) = vrcp.f32 v26;
	v22 =	vmul.f32 v22, v22  }
0x1a1: {  	v12 =	vadd.f32 v12, v18;
	v11 =	vadd.f32 $1.000000000e+00, v25;
	(erf) = vrcp.f32 v27  }
0x1a2: {  	v2 =	vmul.f32 v24, v2;
	v24 =	vadd.f32 v33, v30;
	(erf) = vrcp.f32 v23  }
0x1a3: {  	v23 =	vadd.f32 v12, v19;
	(erf) = vrcp.f32 v11  }
0x1a4: {  	vm15 =	vgt.s32 v20, $0x0;
	v6 =	vmul.f32 v22, v6;
	v22 =	vpop (erf)  }
0x1a5: {  	v20 =	vnsel vm15, $0x0, v20;
	v25 =	vadd.f32 v23, v2;
	v23 =	vmul.u32 $0x5, v17;
	v17 =	vpop (erf)  }
0x1a6: {  	v0 =	vmin.u32 v20, $0x64;
	v20 =	vadd.f32 v24, v6;
	v24 =	vpop (erf)  }
0x1a7: {  	v25 =	vmax.f32 v25, $9.999999970e-07;
	v26 =	vsub.f32 v22, v24;
	v27 =	vmax.f32 v24, $0.0e+00;
	v24 =	vpop (erf)  }
0x1a8: {  	v29 =	vsub.f32 v17, v24  }
0x1a9: {  	v20 =	vmax.f32 v20, $9.999999970e-07;
	(erf) = vrcp.f32 v25;
	v41 =	vmax.f32 v24, $0.0e+00;
	v24 =	vpop (erf)  }
0x1aa: {  	(erf) = vrcp.f32 v20;
	v22 =	vsub.f32 v24, v22;
	v42 =	vmax.f32 v26, $0.0e+00;
	v25 =	vpop (erf)  }
0x1ab: {  	v20 =	vadd.f32 v42, v27;
	v17 =	vsub.f32 v25, v17;
	v45 =	vmax.f32 v29, $0.0e+00;
	v26 =	vpop (erf)  }
0x1ac: {  	v47 =	vmax.f32 v22, $0.0e+00;
	v22 =	vadd.f32 v45, v41;
	v24 =	vsub.f32 v26, v24;
	v29 =	vpop (erf)  }
0x1ad: {  	v20 =	vadd.f32 v47, v20;
	v48 =	vmax.f32 v17, $0.0e+00;
	v25 =	vsub.f32 v29, v25  }
0x1ae: {  	v17 =	vsub.f32 $1.000000000e+00, v26;
	v22 =	vadd.f32 v48, v22;
	v49 =	vmax.f32 v24, $0.0e+00  }
0x1af: {  	v24 =	vsub.f32 $1.000000000e+00, v29;
	v20 =	vadd.f32 v49, v20;
	v54 =	vmax.f32 v25, $0.0e+00  }
0x1b0: {  	v53 =	vmax.f32 v17, $0.0e+00;
	v17 =	vadd.f32 v54, v22  }
0x1b1: {  	v12 =	vmovc v0;
	v50 =	vshll.u32 v0, $0x2;
	v0 =	vmax.f32 v24, $0.0e+00;
	v20 =	vadd.f32 v20, v53  }
0x1b2: {  	v17 =	vadd.f32 v17, v0  }
0x1b3: {  	v24 =	vpop (erf);
	v20 =	vmax.f32 v20, $9.999999970e-07  }
0x1b4: {  	v33 =	vmul.f32 v24, v5;
	v5 =	vmax.f32 v17, $9.999999970e-07;
	(erf) = vrcp.f32 v20  }
0x1b5: {  	(erf) = vrcp.f32 v5;
	_ =	sdelay $0x4  }
0x1b6: {  	vm14 =	vgt.s32 v55, $0x0  }
0x1b7: {  	v16 =	vmul.u32 $0x5, v16;
	v11 =	vnsel vm14, $0x0, v55;
	v26 =	vadd.s32 $0x200, v23  }
0x1b8: {  	v22 =	vand.u32 $0x7F, v23;
	v31 =	vmul.f32 v24, v18;
	v18 =	vpop (erf);
	v17 =	vand.u32 $0x780, v26  }
0x1b9: {  	v1 =	vmin.u32 v11, $0x64;
	v7 =	vor.u32 v22, v17;
	v17 =	vmul.f32 v18, v6;
	v6 =	vpop (erf)  }
0x1ba: {  	v43 =	vshll.u32 v1, $0x2;
	v25 =	vand.u32 $0x7F, v16;
	v63 =	vpop (erf)  }
0x1bb: {  	v5 =	vadd.s32 $0x200, v16;
	v60 =	vmul.f32 v6, v27;
	v59 =	vmul.f32 v63, v41  }
0x1bc: {  	v26 =	vmul.f32 v24, v2;
	v2 =	vand.u32 $0x780, v5;
	v57 =	vmul.f32 v63, v45  }
0x1bd: {  	[tilespmem:$0x1FF80] =	vst v1;
	v1 =	vor.u32 v25, v2;
	v2 =	vsub.f32 $5.000000070e-02, v60;
	v45 =	vsub.f32 $5.000000070e-02, v59  }
0x1be: {  	v61 =	vsub.f32 $5.000000070e-02, v57  }
0x1bf: {  	v2 =	vmul.f32 $9.090909000e+00, v2;
	v45 =	vmul.f32 $9.090909000e+00, v45  }
0x1c0: {  	v55 =	vmul.f32 v6, v49;
	v3 =	vmul.f32 $9.090909000e+00, v61  }
0x1c1: {  	v5 =	vmul.f32 $1.442695020e+00, v2;
	v2 =	vmul.f32 $1.442695020e+00, v45;
	_ =	sdelay $0x1  }
0x1c2: {  	v52 =	vmul.f32 v24, v4;
	[tilespmem:$0x1FFA0] =	vst v2;
	v2 =	vmul.f32 $1.442695020e+00, v3;
	v3 =	vsub.f32 $5.000000070e-02, v55  }
0x1c3: {  	v29 =	vmul.f32 v24, v19;
	v11 =	vmul.f32 v18, v28  }
0x1c4: {  	v35 =	vor.u32 $0x3, v50;
	v24 =	vmul.f32 v18, v21;
	v20 =	vmul.f32 v18, v58;
	[tilespmem:$0x1FF90] =	vst v3  }
0x1c5: {  	v38 =	vor.u32 $0x2, v50;
	v19 =	vmul.f32 v18, v30;
	v51 =	vmul.f32 v52, v9;
	[tilespmem:v23+s15+$0x0] =	vst.idx.add.f32.msk $0xffff, v52  }
0x1c6: {  	v44 =	vor.u32 $0x1, v50;
	v36 =	vmul.f32 v33, v9;
	v37 =	vmul.f32 v11, v8;
	[tilespmem:v16+s15+$0x0] =	vst.idx.add.f32.msk $0xffff, v11  }
0x1c7: {  	v46 =	vor.u32 $0x3, v43;
	v34 =	vmul.f32 v31, v9;
	v32 =	vmul.f32 v29, v9;
	[tilespmem:v7+s15+$0x0] =	vst.idx.add.f32.msk $0xffff, v51  }
0x1c8: {  	v39 =	vor.u32 $0x2, v43;
	v28 =	vmul.f32 v26, v9;
	v22 =	vmul.f32 v20, v8;
	[tilespmem:v1+s15+$0x0] =	vst.idx.add.f32.msk $0xffff, v37  }
0x1c9: {  	v62 =	vor.u32 $0x1, v43;
	v27 =	vmul.f32 v6, v42;
	v52 =	vmul.f32 v63, v0;
	v0 =	vld [tilespmem:$0x1FF90]  }
0x1ca: {  	v40 =	vor.u32 $0x400, v23;
	v21 =	vmul.f32 v19, v8;
	v25 =	vmul.f32 v24, v8  }
0x1cb: {  	v18 =	vmul.f32 v17, v8;
	v56 =	vmul.f32 v63, v48;
	v30 =	vsub.f32 $5.000000070e-02, v27  }
0x1cc: {  	v58 =	vmul.f32 v6, v47;
	v42 =	vadd.s32 $0x201, v23;
	v47 =	vadd.s32 $0x401, v23  }
0x1cd: {  	v53 =	vmul.f32 v6, v53;
	v49 =	vsub.f32 $5.000000070e-02, v56;
	v30 =	vmul.f32 $9.090909000e+00, v30  }
0x1ce: {  	v48 =	vsub.f32 $5.000000070e-02, v58;
	(erf) = vpow2.f32 v5;
	v5 =	vmul.f32 $9.090909000e+00, v0;
	v0 =	vld [tilespmem:$0x1FFA0]  }
0x1cf: {  	v41 =	vadd.s32 $0x1, v23;
	v54 =	vmul.f32 v63, v54;
	v4 =	vmul.f32 $9.090909000e+00, v49  }
0x1d0: {  	v6 =	vsub.f32 $5.000000070e-02, v53;
	v61 =	vmul.f32 $1.442695020e+00, v30;
	v3 =	vmul.f32 $9.090909000e+00, v48  }
0x1d1: {  	v49 =	vadd.s32 $0x202, v23;
	v30 =	vsub.f32 $5.000000070e-02, v54;
	v45 =	vadd.s32 $0x2, v23  }
0x1d2: {  	(erf) = vpow2.f32 v61;
	v48 =	vadd.s32 $0x402, v23;
	v63 =	vmul.f32 $1.442695020e+00, v3  }
0x1d3: {  	s22 =	simm.s32 $0x470;
	s21 =	simm.s32 $0x4;
	v3 =	vmul.f32 $1.442695020e+00, v4;
	v4 =	vsub.f32 $5.000000070e-02, v52;
	(erf) = vpow2.f32 v0  }
.LBB2_6:
0x1d4: {  	v61 =	vld [tilespmem:s22+$0xFFFFFFF0];
	v1 =	vmul.f32 $9.090909000e+00, v30  }
0x1d5: {  	v50 =	vld.idx.msk [tilespmem:v50+s13+$0x0], $0xffff;
	(erf) = vpow2.f32 v2;
	v5 =	vmul.f32 $1.442695020e+00, v5  }
0x1d6: {  	v30 =	vld [tilespmem:s22+$0x0];
	v6 =	vmul.f32 $9.090909000e+00, v6;
	(erf) = vpow2.f32 v63  }
0x1d7: {  	v0 =	vadd.s32 $0x203, v23;
	v4 =	vmul.f32 $9.090909000e+00, v4;
	v63 =	vld.idx.msk [tilespmem:v43+s13+$0x0], $0xffff;
	(erf) = vpow2.f32 v3  }
0x1d8: {  	v7 =	vadd.s32 $0x4, v23;
	v43 =	vld.idx.msk [tilespmem:v46+s13+$0x0], $0xffff;
	(erf) = vpow2.f32 v5;
	v5 =	vmul.f32 v51, v9  }
0x1d9: {  	v2 =	vadd.s32 $0x3, v23;
	v46 =	vld.idx.msk [tilespmem:v62+s13+$0x0], $0xffff;
	v1 =	vmul.f32 $1.442695020e+00, v1;
	v3 =	vadd.s32 $0x403, v23  }
0x1da: {  	v6 =	vmul.f32 $1.442695020e+00, v6;
	v4 =	vmul.f32 $1.442695020e+00, v4;
	v51 =	vadd.s32 $0x204, v23;
	[tilespmem:v40+s15+$0x0] =	vst.idx.add.f32.msk $0xffff, v5  }
0x1db: {  	(erf) = vpow2.f32 v1;
	v1 =	vadd.s32 $0x404, v23;
	v23 =	vpop (erf);
	v5 =	vmul.f32 v36, v9;
	[tilespmem:v41+s15+$0x0] =	vst.idx.add.f32.msk $0xffff, v33  }
0x1dc: {  	v40 =	vor.u32 $0x400, v16;
	v11 =	vadd.f32 $1.000000000e+00, v23;
	v62 =	vpop (erf);
	(erf) = vpow2.f32 v6;
	[tilespmem:v42+s15+$0x0] =	vst.idx.add.f32.msk $0xffff, v36  }
0x1dd: {  	v6 =	vmul.f32 v34, v9;
	v62 =	vadd.f32 $1.000000000e+00, v62;
	v33 =	vpop (erf);
	(erf) = vpow2.f32 v4;
	[tilespmem:v47+s15+$0x0] =	vst.idx.add.f32.msk $0xffff, v5  }
0x1de: {  	v4 =	vmul.f32 v32, v9;
	v41 =	vadd.f32 $1.000000000e+00, v33;
	(erf) = vrcp.f32 v11;
	v23 =	vpop (erf);
	[tilespmem:v45+s15+$0x0] =	vst.idx.add.f32.msk $0xffff, v31  }
0x1df: {  	(erf) = vrcp.f32 v62;
	v31 =	vmul.f32 v37, v8;
	v11 =	vadd.f32 $1.000000000e+00, v23;
	v23 =	vpop (erf);
	[tilespmem:v49+s15+$0x0] =	vst.idx.add.f32.msk $0xffff, v34  }
0x1e0: {  	v5 =	vmul.f32 v28, v9;
	(erf) = vrcp.f32 v41;
	v23 =	vadd.f32 $1.000000000e+00, v23;
	[tilespmem:v48+s15+$0x0] =	vst.idx.add.f32.msk $0xffff, v6  }
0x1e1: {  	v9 =	vmov v13;
	v34 =	vmul.f32 v25, v8;
	v42 =	vpop (erf);
	[tilespmem:v40+s15+$0x0] =	vst.idx.add.f32.msk $0xffff, v31;
	(erf) = vrcp.f32 v11  }
0x1e2: {  	v6 =	vmul.f32 v22, v8;
	v45 =	vadd.f32 $1.000000000e+00, v42;
	v13 =	vpop (erf);
	[tilespmem:v2+s15+$0x0] =	vst.idx.add.f32.msk $0xffff, v29;
	(erf) = vrcp.f32 v23  }
0x1e3: {  	v2 =	vadd.s32 $0x1, v16;
	v29 =	vmul.f32 v21, v8;
	v13 =	vadd.f32 $1.000000000e+00, v13;
	[tilespmem:v0+s15+$0x0] =	vst.idx.add.f32.msk $0xffff, v32  }
0x1e4: {  	v47 =	vpop (erf);
	v23 =	vmul.f32 v18, v8;
	(erf) = vrcp.f32 v45;
	[tilespmem:v3+s15+$0x0] =	vst.idx.add.f32.msk $0xffff, v4  }
0x1e5: {  	v8 =	vmov v10;
	v11 =	vadd.f32 $1.000000000e+00, v47;
	(erf) = vrcp.f32 v13;
	v10 =	vpop (erf);
	[tilespmem:v7+s15+$0x0] =	vst.idx.add.f32.msk $0xffff, v26  }
0x1e6: {  	v33 =	vadd.s32 $0x204, v16;
	v31 =	vadd.s32 $0x403, v16;
	v3 =	vadd.s32 $0x201, v16;
	v0 =	vpop (erf);
	[tilespmem:v51+s15+$0x0] =	vst.idx.add.f32.msk $0xffff, v28  }
0x1e7: {  	v4 =	vadd.s32 $0x401, v16;
	v10 =	vadd.f32 $1.000000000e+00, v10;
	(erf) = vrcp.f32 v11;
	v13 =	vpop (erf);
	[tilespmem:v1+s15+$0x0] =	vst.idx.add.f32.msk $0xffff, v5  }
0x1e8: {  	s19 =	sadd.s32 $0x20, s19;
	v7 =	vadd.s32 $0x2, v16;
	v0 =	vadd.f32 $1.000000000e+00, v0;
	[tilespmem:v2+s15+$0x0] =	vst.idx.add.f32.msk $0xffff, v24;
	v13 =	vmul.f32 v13, v60;
	v48 =	vpop (erf)  }
0x1e9: {  	v26 =	vadd.s32 $0x202, v16;
	(erf) = vrcp.f32 v10;
	v2 =	vld [tilespmem:s19+$0xFFFFFFF0];
	v11 =	vmul.f32 v48, v27;
	v27 =	vpop (erf)  }
0x1ea: {  	s20 =	sadd.s32 $0x20, s20;
	v40 =	vld [tilespmem:s19+$0x0];
	(erf) = vrcp.f32 v0;
	v24 =	vmax.f32 v13, $9.999999970e-07;
	v27 =	vmul.f32 v27, v59;
	v49 =	vpop (erf)  }
0x1eb: {  	v28 =	vadd.s32 $0x402, v16;
	v13 =	vld [tilespmem:s20+$0xFFFFFFF0];
	v51 =	vmul.f32 v24, v24;
	v37 =	vmax.f32 v11, $9.999999970e-07;
	v10 =	vpop (erf)  }
0x1ec: {  	v32 =	vmul.f32 v49, v57;
	v27 =	vmax.f32 v27, $9.999999970e-07;
	v58 =	vmul.f32 v10, v58;
	v10 =	vld [tilespmem:s20+$0x0]  }
0x1ed: {  	v1 =	vadd.s32 $0x3, v16;
	v57 =	vmul.f32 v37, v37;
	v59 =	vpop (erf);
	v60 =	vmul.f32 v27, v27;
	[tilespmem:v3+s15+$0x0] =	vst.idx.add.f32.msk $0xffff, v25  }
0x1ee: {  	v5 =	vadd.s32 $0x203, v16;
	v36 =	vmul.f32 v51, v51;
	v11 =	vmul.f32 v59, v56;
	v45 =	vpop (erf);
	[tilespmem:v4+s15+$0x0] =	vst.idx.add.f32.msk $0xffff, v34  }
0x1ef: {  	v32 =	vmax.f32 v32, $9.999999970e-07;
	v3 =	vmul.f32 v57, v57;
	v25 =	vmul.f32 v45, v55;
	[tilespmem:v7+s15+$0x0] =	vst.idx.add.f32.msk $0xffff, v20  }
0x1f0: {  	v62 =	vmul.f32 v32, v32;
	v51 =	vpop (erf);
	v4 =	vmul.f32 $1.442695020e+00, v13;
	v2 =	vsub.f32 v13, v2;
	[tilespmem:v26+s15+$0x0] =	vst.idx.add.f32.msk $0xffff, v22  }
0x1f1: {  	v55 =	vmul.f32 v51, v54;
	v7 =	vmax.f32 v25, $9.999999970e-07;
	v25 =	vmul.f32 v60, v60;
	[tilespmem:v28+s15+$0x0] =	vst.idx.add.f32.msk $0xffff, v6  }
0x1f2: {  	v0 =	vadd.s32 $0x4, v16;
	v56 =	vmul.f32 v62, v62;
	v20 =	vpop (erf);
	v22 =	vmul.f32 $1.442695020e+00, v10;
	[tilespmem:v1+s15+$0x0] =	vst.idx.add.f32.msk $0xffff, v19  }
0x1f3: {  	v16 =	vadd.s32 $0x404, v16;
	v2 =	vmul.f32 v2, v2;
	v57 =	vpop (erf);
	(erf) = vpow2.f32 v4;
	v1 =	vld [tilespmem:$0x1FF70]  }
0x1f4: {  	v42 =	vmax.f32 v58, $9.999999970e-07;
	v6 =	vmul.f32 v36, v24;
	[tilespmem:v5+s15+$0x0] =	vst.idx.add.f32.msk $0xffff, v21;
	(erf) = vpow2.f32 v22  }
0x1f5: {  	v49 =	vmax.f32 v11, $9.999999970e-07;
	v4 =	vmul.f32 v42, v42;
	v5 =	vmul.f32 v20, v53;
	[tilespmem:v31+s15+$0x0] =	vst.idx.add.f32.msk $0xffff, v29  }
0x1f6: {  	v26 =	vsub.f32 v10, v40;
	v21 =	vmul.f32 v49, v49;
	v20 =	vmul.f32 v3, v37;
	v22 =	vld.idx.msk [tilespmem:v44+s13+$0x0], $0xffff  }
0x1f7: {  	v19 =	vmul.f32 v25, v27;
	[tilespmem:v0+s15+$0x0] =	vst.idx.add.f32.msk $0xffff, v17;
	v0 =	vmul.f32 v4, v4  }
0x1f8: {  	v28 =	vmax.f32 v55, $9.999999970e-07;
	v17 =	vmul.f32 v56, v32;
	v4 =	vmul.f32 v7, v7;
	[tilespmem:v33+s15+$0x0] =	vst.idx.add.f32.msk $0xffff, v18  }
0x1f9: {  	v18 =	vmul.f32 v21, v21;
	v1 =	vadd.f32 v2, v1;
	v2 =	vmul.f32 v26, v26  }
0x1fa: {  	vm0 =	vgt.s32 v61, $0x0;
	v24 =	vld.idx.msk [tilespmem:v38+s13+$0x0], $0xffff;
	v21 =	vmul.f32 v0, v42;
	v0 =	vmul.f32 v28, v28  }
0x1fb: {  	vm1 =	vgt.s32 v30, $0x0;
	v25 =	vadd.f32 v17, v19;
	v4 =	vmul.f32 v4, v4;
	[tilespmem:v16+s15+$0x0] =	vst.idx.add.f32.msk $0xffff, v23  }
0x1fc: {  	v3 =	vld.idx.msk [tilespmem:v39+s13+$0x0], $0xffff;
	v18 =	vmul.f32 v18, v49;
	v1 =	vadd.f32 v2, v1;
	v0 =	vmul.f32 v0, v0;
	v23 =	vpop (erf)  }
0x1fd: {  	v2 =	vmax.f32 v5, $9.999999970e-07;
	v4 =	vmul.f32 v4, v7;
	v29 =	vmul.f32 v46, v23;
	v31 =	vpop (erf)  }
0x1fe: {  	v5 =	vadd.f32 v20, v6;
	v26 =	vmul.f32 v2, v2;
	v22 =	vmul.f32 v22, v31  }
0x1ff: {  	v16 =	vld.idx.msk [tilespmem:v35+s13+$0x0], $0xffff;
	v25 =	vadd.f32 v25, v18;
	v27 =	vmul.f32 v63, v23;
	v29 =	vadd.f32 $1.000000000e+00, v29  }
0x200: {  	[tilespmem:$0x1FF70] =	vst v1;
	v1 =	vmul.f32 v57, v52;
	v58 =	vmul.f32 v50, v31;
	v22 =	vadd.f32 $1.000000000e+00, v22  }
0x201: {  	v3 =	vmul.f32 v3, v23;
	v27 =	vadd.f32 $1.000000000e+00, v27;
	(erf) = vrcp.f32 v29  }
0x202: {  	v23 =	vmul.f32 v43, v23;
	v32 =	vadd.f32 $1.000000000e+00, v58;
	(erf) = vrcp.f32 v22  }
0x203: {  	v1 =	vmax.f32 v1, $9.999999970e-07;
	v24 =	vmul.f32 v24, v31;
	(erf) = vrcp.f32 v27  }
0x204: {  	v3 =	vadd.f32 $1.000000000e+00, v3;
	v16 =	vmul.f32 v16, v31;
	(erf) = vrcp.f32 v32  }
0x205: {  	v24 =	vadd.f32 $1.000000000e+00, v24;
	v22 =	vadd.f32 $1.000000000e+00, v23;
	v23 =	vmul.f32 v1, v1  }
0x206: {  	v5 =	vadd.f32 v5, v21;
	v0 =	vmul.f32 v0, v28;
	(erf) = vrcp.f32 v3  }
0x207: {  	v16 =	vadd.f32 $1.000000000e+00, v16;
	v11 =	vmul.f32 v23, v23;
	(erf) = vrcp.f32 v24  }
0x208: {  	v3 =	vmul.f32 v26, v26;
	v24 =	vadd.f32 v25, v0;
	(erf) = vrcp.f32 v22  }
0x209: {  	v7 =	vnsel vm0, $0x0, v61;
	v5 =	vadd.f32 v5, v4;
	(erf) = vrcp.f32 v16  }
0x20a: {  	v23 =	vnsel vm1, $0x0, v30;
	v1 =	vmul.f32 v11, v1;
	v2 =	vmul.f32 v3, v2;
	v22 =	vpop (erf)  }
0x20b: {  	v3 =	vmin.u32 v7, $0x64;
	v7 =	vmin.u32 v23, $0x64;
	v16 =	vmul.u32 $0x5, v14;
	v14 =	vpop (erf)  }
0x20c: {  	v23 =	vmul.u32 $0x5, v15;
	v15 =	vadd.f32 v24, v1;
	v5 =	vadd.f32 v5, v2;
	v24 =	vpop (erf)  }
0x20d: {  	v43 =	vshll.u32 v3, $0x2;
	v11 =	vsub.f32 v22, v24;
	v27 =	vmax.f32 v24, $0.0e+00;
	v24 =	vpop (erf)  }
0x20e: {  	v15 =	vmax.f32 v15, $9.999999970e-07;
	v5 =	vmax.f32 v5, $9.999999970e-07;
	v28 =	vsub.f32 v14, v24  }
0x20f: {  	v30 =	vmax.f32 v24, $0.0e+00;
	v24 =	vpop (erf);
	(erf) = vrcp.f32 v5;
	v59 =	vmax.f32 v11, $0.0e+00;
	v11 =	vld [tilespmem:$0x1FF80]  }
0x210: {  	v50 =	vshll.u32 v7, $0x2;
	v5 =	vsub.f32 v24, v22;
	v22 =	vpop (erf);
	(erf) = vrcp.f32 v15  }
0x211: {  	v52 =	vadd.f32 v59, v27;
	v53 =	vsub.f32 v22, v14;
	v54 =	vmax.f32 v28, $0.0e+00;
	v26 =	vpop (erf)  }
0x212: {  	v24 =	vsub.f32 v26, v24;
	v5 =	vmax.f32 v5, $0.0e+00;
	v28 =	vadd.f32 v54, v30;
	v29 =	vpop (erf)  }
0x213: {  	v31 =	vadd.f32 v5, v52;
	v22 =	vsub.f32 v29, v22;
	v55 =	vmax.f32 v53, $0.0e+00  }
0x214: {  	v47 =	vmax.f32 v24, $0.0e+00;
	v24 =	vadd.f32 v55, v28;
	v15 =	vmovc v11;
	v11 =	vmovc v3;
	v3 =	vsub.f32 $1.000000000e+00, v26  }
0x215: {  	v14 =	vmovc v12;
	v12 =	vmovc v7;
	v7 =	vadd.f32 v47, v31;
	v26 =	vsub.f32 $1.000000000e+00, v29;
	v48 =	vmax.f32 v22, $0.0e+00  }
0x216: {  	v25 =	vand.u32 $0x7F, v23;
	v22 =	vadd.f32 v48, v24;
	v3 =	vmax.f32 v3, $0.0e+00  }
0x217: {  	v28 =	vadd.s32 $0x200, v16;
	v49 =	vmax.f32 v26, $0.0e+00;
	v7 =	vadd.f32 v7, v3  }
0x218: {  	v24 =	vand.u32 $0x7F, v16;
	v26 =	vadd.s32 $0x200, v23;
	v22 =	vadd.f32 v22, v49;
	v62 =	vpop (erf)  }
0x219: {  	v6 =	vmul.f32 v62, v6;
	v33 =	vmul.f32 v62, v20;
	v7 =	vmax.f32 v7, $9.999999970e-07  }
0x21a: {  	v26 =	vand.u32 $0x780, v26;
	v63 =	vpop (erf);
	v31 =	vmul.f32 v62, v21;
	(erf) = vrcp.f32 v7  }
0x21b: {  	v29 =	vmul.f32 v62, v4;
	v4 =	vand.u32 $0x780, v28;
	v20 =	vmax.f32 v22, $9.999999970e-07  }
0x21c: {  	v4 =	vor.u32 v24, v4;
	v24 =	vmul.f32 v63, v17;
	(erf) = vrcp.f32 v20  }
0x21d: {  	v17 =	vmul.f32 v63, v1;
	v7 =	vor.u32 v25, v26;
	v26 =	vmul.f32 v62, v2  }
0x21e: {  	v2 =	vmul.f32 v63, v19;
	v19 =	vmul.f32 v63, v0  }
0x21f: {  	v46 =	vor.u32 $0x3, v43;
	v51 =	vmul.f32 v6, v9;
	v36 =	vmul.f32 v33, v9  }
0x220: {  	v35 =	vor.u32 $0x3, v50;
	v34 =	vmul.f32 v31, v9;
	v32 =	vmul.f32 v29, v9  }
0x221: {  	v39 =	vor.u32 $0x2, v43;
	v20 =	vmul.f32 v63, v18;
	v25 =	vmul.f32 v24, v8  }
0x222: {  	v38 =	vor.u32 $0x2, v50;
	v18 =	vmul.f32 v17, v8;
	v28 =	vmul.f32 v26, v9  }
0x223: {  	v44 =	vor.u32 $0x1, v50;
	v37 =	vmul.f32 v2, v8;
	v21 =	vmul.f32 v19, v8;
	v0 =	vpop (erf)  }
0x224: {  	v40 =	vor.u32 $0x400, v23;
	v22 =	vmul.f32 v20, v8;
	v60 =	vmul.f32 v0, v27  }
0x225: {  	v41 =	vadd.s32 $0x1, v23;
	v27 =	vmul.f32 v0, v59;
	v1 =	vpop (erf);
	v58 =	vmul.f32 v0, v5  }
0x226: {  	v42 =	vadd.s32 $0x201, v23;
	v53 =	vmul.f32 v0, v3;
	v59 =	vmul.f32 v1, v30  }
0x227: {  	v45 =	vadd.s32 $0x2, v23;
	v57 =	vmul.f32 v1, v54;
	v56 =	vmul.f32 v1, v55  }
0x228: {  	v62 =	vor.u32 $0x1, v43;
	[tilespmem:v16+s15+$0x0] =	vst.idx.add.f32.msk $0xffff, v2;
	v55 =	vmul.f32 v0, v47;
	v54 =	vmul.f32 v1, v48  }
0x229: {  	[tilespmem:v4+s15+$0x0] =	vst.idx.add.f32.msk $0xffff, v37;
	v47 =	vadd.s32 $0x401, v23;
	v2 =	vsub.f32 $5.000000070e-02, v60;
	v4 =	vsub.f32 $5.000000070e-02, v27  }
0x22a: {  	[tilespmem:v23+s15+$0x0] =	vst.idx.add.f32.msk $0xffff, v6;
	v52 =	vmul.f32 v1, v49;
	v5 =	vsub.f32 $5.000000070e-02, v59;
	v6 =	vsub.f32 $5.000000070e-02, v57  }
0x22b: {  	[tilespmem:v7+s15+$0x0] =	vst.idx.add.f32.msk $0xffff, v51;
	v7 =	vsub.f32 $5.000000070e-02, v58;
	v2 =	vmul.f32 $9.090909000e+00, v2;
	v4 =	vmul.f32 $9.090909000e+00, v4  }
0x22c: {  	s21 =	sadd.s32 $0x2, s21;
	v30 =	vsub.f32 $5.000000070e-02, v56;
	v5 =	vmul.f32 $9.090909000e+00, v5;
	v6 =	vmul.f32 $9.090909000e+00, v6  }
0x22d: {  	p0 =	slt.u32 s21, $0x1E;
	[tilespmem:$0x1FF80] =	vst v11;
	v61 =	vsub.f32 $5.000000070e-02, v55;
	v48 =	vmul.f32 $1.442695020e+00, v2;
	v4 =	vmul.f32 $1.442695020e+00, v4  }
.Ltmp2:
0x22e: {  	v49 =	vadd.s32 $0x202, v23;
	v11 =	vmul.f32 $1.442695020e+00, v5;
	v5 =	vmul.f32 $9.090909000e+00, v7;
	(pc) =	sbr.rel @p0 .LBB2_6-.Ltmp2, $4  }
0x22f: {  	v2 =	vmul.f32 $1.442695020e+00, v6;
	v7 =	vmul.f32 $9.090909000e+00, v30;
	v30 =	vsub.f32 $5.000000070e-02, v54  }
0x230: {  	v6 =	vsub.f32 $5.000000070e-02, v53;
	(erf) = vpow2.f32 v48;
	v63 =	vmul.f32 $1.442695020e+00, v5  }
0x231: {  	v48 =	vadd.s32 $0x402, v23;
	v3 =	vmul.f32 $1.442695020e+00, v7;
	(erf) = vpow2.f32 v4  }
0x232: {  	s22 =	sadd.s32 $0x20, s22;
	v5 =	vmul.f32 $9.090909000e+00, v61;
	v4 =	vsub.f32 $5.000000070e-02, v52;
	(erf) = vpow2.f32 v11  }
0x233: {  	v0 =	vmul.f32 $9.090909000e+00, v30;
	(erf) = vpow2.f32 v2  }
0x234: {  	v2 =	vmul.f32 $9.090909000e+00, v6;
	v1 =	vmul.f32 $1.442695020e+00, v5  }
0x235: {  	(erf) = vpow2.f32 v63;
	v0 =	vmul.f32 $1.442695020e+00, v0  }
0x236: {  	(erf) = vpow2.f32 v3;
	v3 =	vmul.f32 $9.090909000e+00, v4  }
0x237: {  	(erf) = vpow2.f32 v1  }
0x238: {  	(erf) = vpow2.f32 v0;
	v0 =	vmul.f32 $1.442695020e+00, v3  }
0x239: {  	v1 =	vmul.f32 $1.442695020e+00, v2;
	v2 =	vpop (erf)  }
0x23a: {  	v2 =	vadd.f32 $1.000000000e+00, v2  }
0x23b: {  	(erf) = vpow2.f32 v1;
	v3 =	vpop (erf)  }
0x23c: {  	(erf) = vpow2.f32 v0;
	v0 =	vpop (erf)  }
0x23d: {  	v1 =	vadd.f32 $1.000000000e+00, v3;
	v0 =	vadd.f32 $1.000000000e+00, v0  }
0x23e: {  	(erf) = vrcp.f32 v2;
	v2 =	vpop (erf)  }
0x23f: {  	(erf) = vrcp.f32 v1;
	v1 =	vadd.f32 $1.000000000e+00, v2  }
0x240: {  	v2 =	vpop (erf)  }
0x241: {  	(erf) = vrcp.f32 v0;
	v2 =	vadd.f32 $1.000000000e+00, v2;
	v0 =	vpop (erf)  }
0x242: {  	v0 =	vadd.f32 $1.000000000e+00, v0  }
0x243: {  	(erf) = vrcp.f32 v1;
	v1 =	vpop (erf)  }
0x244: {  	(erf) = vrcp.f32 v2;
	v1 =	vadd.f32 $1.000000000e+00, v1  }
0x245: {  	s20 =	sadd.s32 $0x20, s20;
	v2 =	vpop (erf)  }
0x246: {  	v30 =	vld [tilespmem:s20+$0xFFFFFFF0];
	(erf) = vrcp.f32 v0;
	v0 =	vpop (erf)  }
0x247: {  	v2 =	vadd.f32 $1.000000000e+00, v2;
	v3 =	vpop (erf)  }
0x248: {  	(erf) = vrcp.f32 v1;
	v0 =	vadd.f32 $1.000000000e+00, v0;
	v1 =	vpop (erf)  }
0x249: {  	(erf) = vrcp.f32 v2;
	v2 =	vadd.f32 $1.000000000e+00, v3;
	v1 =	vmul.f32 v1, v60;
	v3 =	vpop (erf)  }
0x24a: {  	(erf) = vrcp.f32 v0;
	v0 =	vmul.f32 v3, v27;
	v27 =	vld [tilespmem:s20+$0x0]  }
0x24b: {  	v7 =	vmul.f32 $1.442695020e+00, v30;
	v3 =	vpop (erf);
	(erf) = vrcp.f32 v2;
	v1 =	vmax.f32 v1, $9.999999970e-07  }
0x24c: {  	v2 =	vmul.f32 v3, v59;
	v3 =	vpop (erf);
	v63 =	vmul.f32 v1, v1  }
0x24d: {  	v0 =	vmax.f32 v0, $9.999999970e-07;
	v3 =	vmul.f32 v3, v57;
	v60 =	vpop (erf);
	(erf) = vpow2.f32 v7  }
0x24e: {  	v6 =	vmul.f32 v0, v0;
	v5 =	vmul.f32 v60, v58;
	v2 =	vmax.f32 v2, $9.999999970e-07  }
0x24f: {  	v11 =	vpop (erf);
	v57 =	vmul.f32 v2, v2;
	v61 =	vmul.f32 $1.442695020e+00, v27  }
0x250: {  	v11 =	vmul.f32 v11, v56;
	v3 =	vmax.f32 v3, $9.999999970e-07;
	v4 =	vmul.f32 v63, v63  }
0x251: {  	v60 =	vmul.f32 v3, v3;
	v5 =	vmax.f32 v5, $9.999999970e-07;
	(erf) = vpow2.f32 v61  }
0x252: {  	v6 =	vmul.f32 v6, v6;
	v63 =	vpop (erf);
	v59 =	vmul.f32 v5, v5  }
0x253: {  	v1 =	vmul.f32 v4, v1;
	v7 =	vmul.f32 v63, v55  }
0x254: {  	v11 =	vmax.f32 v11, $9.999999970e-07;
	v55 =	vmul.f32 v57, v57;
	v56 =	vmul.f32 v60, v60;
	v61 =	vpop (erf)  }
0x255: {  	v58 =	vld.idx.msk [tilespmem:v62+s13+$0x0], $0xffff;
	v60 =	vmul.f32 v11, v11;
	v54 =	vmul.f32 v61, v54;
	v63 =	vpop (erf)  }
0x256: {  	v44 =	vld.idx.msk [tilespmem:v44+s13+$0x0], $0xffff;
	v62 =	vmul.f32 v6, v0;
	v57 =	vmul.f32 v63, v53;
	v53 =	vpop (erf)  }
0x257: {  	v4 =	vld.idx.msk [tilespmem:v43+s13+$0x0], $0xffff;
	v43 =	vmul.f32 v53, v52;
	v53 =	vmul.f32 v55, v2  }
0x258: {  	v6 =	vld.idx.msk [tilespmem:v50+s13+$0x0], $0xffff;
	v7 =	vmax.f32 v7, $9.999999970e-07;
	v2 =	vmul.f32 v59, v59;
	v52 =	vmul.f32 v56, v3  }
0x259: {  	v50 =	vmax.f32 v54, $9.999999970e-07;
	v3 =	vld.idx.msk [tilespmem:v39+s13+$0x0], $0xffff;
	v39 =	vmul.f32 v7, v7;
	v56 =	vmul.f32 v60, v60;
	v54 =	vpop (erf)  }
0x25a: {  	v38 =	vld.idx.msk [tilespmem:v38+s13+$0x0], $0xffff;
	v2 =	vmul.f32 v2, v5;
	v60 =	vmul.f32 v58, v54;
	v61 =	vpop (erf)  }
0x25b: {  	v46 =	vld.idx.msk [tilespmem:v46+s13+$0x0], $0xffff;
	v55 =	vmax.f32 v57, $9.999999970e-07;
	v39 =	vmul.f32 v39, v39;
	v63 =	vmul.f32 v44, v61  }
0x25c: {  	v0 =	vmul.f32 v56, v11;
	v4 =	vmul.f32 v4, v54;
	v57 =	vadd.f32 $1.000000000e+00, v60  }
0x25d: {  	v35 =	vld.idx.msk [tilespmem:v35+s13+$0x0], $0xffff;
	v7 =	vmul.f32 v39, v7;
	v6 =	vmul.f32 v6, v61;
	v5 =	vadd.f32 $1.000000000e+00, v63  }
0x25e: {  	v4 =	vadd.f32 $1.000000000e+00, v4;
	v3 =	vmul.f32 v3, v54;
	(erf) = vrcp.f32 v57  }
0x25f: {  	v38 =	vmul.f32 v38, v61;
	v6 =	vadd.f32 $1.000000000e+00, v6;
	(erf) = vrcp.f32 v5  }
0x260: {  	v54 =	vmul.f32 v46, v54;
	v3 =	vadd.f32 $1.000000000e+00, v3;
	(erf) = vrcp.f32 v4  }
0x261: {  	v44 =	vmul.f32 v50, v50;
	v57 =	vadd.f32 $1.000000000e+00, v38;
	(erf) = vrcp.f32 v6  }
0x262: {  	v61 =	vmul.f32 v35, v61;
	v5 =	vadd.f32 $1.000000000e+00, v54;
	(erf) = vrcp.f32 v3  }
0x263: {  	v43 =	vmax.f32 v43, $9.999999970e-07;
	v60 =	vmul.f32 v55, v55;
	(erf) = vrcp.f32 v57  }
0x264: {  	v11 =	vadd.f32 $1.000000000e+00, v61;
	v3 =	vadd.f32 v62, v1;
	(erf) = vrcp.f32 v5  }
0x265: {  	v63 =	vadd.f32 v52, v53;
	v46 =	vmul.f32 v44, v44;
	v54 =	vmul.f32 v43, v43  }
0x266: {  	v6 =	vmul.f32 v60, v60;
	v3 =	vadd.f32 v3, v2;
	(erf) = vrcp.f32 v11  }
0x267: {  	v56 =	vmul.f32 v46, v50;
	v4 =	vadd.f32 v63, v0;
	v5 =	vmul.f32 v54, v54;
	v57 =	vpop (erf)  }
0x268: {  	v54 =	vmul.f32 v6, v55;
	v3 =	vadd.f32 v3, v7;
	v44 =	vpop (erf)  }
0x269: {  	v4 =	vadd.f32 v4, v56;
	v39 =	vmul.f32 v5, v43;
	v58 =	vpop (erf)  }
0x26a: {  	v3 =	vadd.f32 v3, v54;
	v59 =	vsub.f32 v57, v58;
	v60 =	vpop (erf)  }
0x26b: {  	v4 =	vadd.f32 v4, v39;
	v5 =	vmax.f32 v58, $0.0e+00;
	v61 =	vpop (erf);
	v63 =	vsub.f32 v44, v60  }
0x26c: {  	v11 =	vsub.f32 v61, v57;
	v55 =	vmax.f32 v59, $0.0e+00;
	v6 =	vpop (erf);
	v59 =	vmax.f32 v60, $0.0e+00  }
0x26d: {  	[tilespmem:$0x1FF60] =	vst v56;
	v56 =	vadd.f32 v55, v5;
	v35 =	vpop (erf);
	v44 =	vsub.f32 v6, v44;
	v60 =	vmax.f32 v63, $0.0e+00  }
0x26e: {  	v38 =	vsub.f32 v35, v61;
	v11 =	vmax.f32 v11, $0.0e+00;
	v50 =	vadd.f32 v60, v59  }
0x26f: {  	v3 =	vmax.f32 v3, $9.999999970e-07;
	v57 =	vsub.f32 $1.000000000e+00, v35;
	v61 =	vadd.f32 v11, v56;
	v63 =	vpop (erf)  }
0x270: {  	v44 =	vmax.f32 v44, $0.0e+00;
	v58 =	vmax.f32 v38, $0.0e+00;
	v6 =	vsub.f32 v63, v6  }
0x271: {  	v4 =	vmax.f32 v4, $9.999999970e-07;
	v35 =	vadd.f32 v44, v50;
	v43 =	vadd.f32 v58, v61  }
0x272: {  	v57 =	vmax.f32 v57, $0.0e+00;
	v38 =	vsub.f32 $1.000000000e+00, v63;
	v56 =	vmax.f32 v6, $0.0e+00  }
0x273: {  	(erf) = vrcp.f32 v3;
	v43 =	vadd.f32 v43, v57;
	v3 =	vadd.f32 v56, v35  }
0x274: {  	(erf) = vrcp.f32 v4;
	v4 =	vmax.f32 v38, $0.0e+00  }
0x275: {  	v6 =	vmax.f32 v43, $9.999999970e-07;
	v3 =	vadd.f32 v3, v4  }
0x276: {  	(erf) = vrcp.f32 v6  }
0x277: {  	v3 =	vmax.f32 v3, $9.999999970e-07  }
0x278: {  	v46 =	vmul.f32 v51, v9;
	(erf) = vrcp.f32 v3  }
0x279: {  	[tilespmem:$0x1FF50] =	vst v0  }
0x27a: {  	[tilespmem:v40+s15+$0x0] =	vst.idx.add.f32.msk $0xffff, v46  }
0x27b: {  	[tilespmem:v41+s15+$0x0] =	vst.idx.add.f32.msk $0xffff, v33;
	v61 =	vmul.f32 v36, v9  }
0x27c: {  	v33 =	vmul.f32 v37, v8;
	v37 =	vmul.f32 v25, v8;
	[tilespmem:v42+s15+$0x0] =	vst.idx.add.f32.msk $0xffff, v36  }
0x27d: {  	v41 =	vmul.f32 v22, v8;
	v42 =	vmul.f32 v21, v8;
	[tilespmem:v47+s15+$0x0] =	vst.idx.add.f32.msk $0xffff, v61;
	v3 =	vpop (erf)  }
0x27e: {  	[tilespmem:v45+s15+$0x0] =	vst.idx.add.f32.msk $0xffff, v31;
	v31 =	vmul.f32 v18, v8;
	v43 =	vpop (erf);
	v35 =	vmul.f32 v3, v1  }
0x27f: {  	v51 =	vmul.f32 v3, v62;
	v50 =	vmul.f32 v3, v2;
	v0 =	vpop (erf)  }
0x280: {  	v38 =	vmul.f32 v3, v54;
	v6 =	vmul.f32 v0, v5  }
0x281: {  	v5 =	vmul.f32 v3, v7;
	v63 =	vmul.f32 v0, v55;
	v2 =	vpop (erf)  }
0x282: {  	v55 =	vmul.f32 v0, v57;
	v62 =	vmul.f32 v2, v59  }
0x283: {  	v3 =	vsub.f32 $5.000000070e-02, v6;
	v7 =	vmul.f32 v2, v60;
	v59 =	vmul.f32 v0, v11  }
0x284: {  	v54 =	vsub.f32 $5.000000070e-02, v63;
	v60 =	vmul.f32 v2, v44;
	v57 =	vmul.f32 v2, v56  }
0x285: {  	v11 =	vmul.f32 $9.090909000e+00, v3;
	v3 =	vmul.f32 v0, v58;
	v0 =	vsub.f32 $5.000000070e-02, v62  }
0x286: {  	v44 =	vmul.f32 $9.090909000e+00, v54;
	v54 =	vmul.f32 v2, v4;
	v2 =	vsub.f32 $5.000000070e-02, v7  }
0x287: {  	v56 =	vsub.f32 $5.000000070e-02, v59;
	v11 =	vmul.f32 $1.442695020e+00, v11;
	v0 =	vmul.f32 $9.090909000e+00, v0  }
0x288: {  	v58 =	vmul.f32 $1.442695020e+00, v44;
	v2 =	vmul.f32 $9.090909000e+00, v2  }
0x289: {  	v44 =	vsub.f32 $5.000000070e-02, v60;
	v4 =	vmul.f32 $9.090909000e+00, v56;
	(erf) = vpow2.f32 v11  }
0x28a: {  	v15 =	vmul.u32 $0x5, v15;
	v0 =	vmul.f32 $1.442695020e+00, v0;
	v2 =	vmul.f32 $1.442695020e+00, v2  }
0x28b: {  	v40 =	vadd.s32 $0x403, v23;
	v11 =	vmul.f32 $9.090909000e+00, v44;
	(erf) = vpow2.f32 v58  }
0x28c: {  	v4 =	vmul.f32 $1.442695020e+00, v4;
	(erf) = vpow2.f32 v0;
	v0 =	vsub.f32 $5.000000070e-02, v3  }
0x28d: {  	v56 =	vsub.f32 $5.000000070e-02, v55;
	v44 =	vmul.f32 v28, v9;
	v11 =	vmul.f32 $1.442695020e+00, v11  }
0x28e: {  	(erf) = vpow2.f32 v2;
	v2 =	vsub.f32 $5.000000070e-02, v57;
	v0 =	vmul.f32 $9.090909000e+00, v0  }
0x28f: {  	v46 =	vadd.s32 $0x4, v23;
	(erf) = vpow2.f32 v4;
	v4 =	vmul.f32 $9.090909000e+00, v56  }
0x290: {  	v36 =	vor.u32 $0x400, v16;
	v2 =	vmul.f32 $9.090909000e+00, v2;
	v0 =	vmul.f32 $1.442695020e+00, v0  }
0x291: {  	v47 =	vadd.s32 $0x2, v16;
	(erf) = vpow2.f32 v11;
	v11 =	vmul.f32 v34, v9  }
0x292: {  	v45 =	vadd.s32 $0x201, v16;
	v2 =	vmul.f32 $1.442695020e+00, v2;
	(erf) = vpow2.f32 v0  }
0x293: {  	v0 =	vmul.f32 $1.442695020e+00, v4;
	v4 =	vmul.f32 v32, v9;
	v9 =	vadd.s32 $0x3, v23  }
0x294: {  	v8 =	vmul.u32 $0x5, v14;
	v56 =	vadd.s32 $0x203, v23;
	(erf) = vpow2.f32 v2  }
0x295: {  	[tilespmem:v49+s15+$0x0] =	vst.idx.add.f32.msk $0xffff, v34;
	v49 =	vadd.s32 $0x202, v16;
	(erf) = vpow2.f32 v0;
	v0 =	vsub.f32 $5.000000070e-02, v54  }
0x296: {  	[tilespmem:v36+s15+$0x0] =	vst.idx.add.f32.msk $0xffff, v33;
	v1 =	vadd.s32 $0x404, v16;
	v58 =	vand.u32 $0x7F, v15;
	v2 =	vadd.s32 $0x200, v15  }
0x297: {  	v34 =	vadd.s32 $0x401, v16;
	[tilespmem:v48+s15+$0x0] =	vst.idx.add.f32.msk $0xffff, v11;
	v2 =	vand.u32 $0x780, v2;
	v0 =	vmul.f32 $9.090909000e+00, v0  }
0x298: {  	v11 =	vadd.s32 $0x402, v16;
	v61 =	vpop (erf);
	v2 =	vor.u32 v58, v2;
	v58 =	vadd.s32 $0x204, v23;
	[tilespmem:v9+s15+$0x0] =	vst.idx.add.f32.msk $0xffff, v29  }
0x299: {  	v48 =	vadd.s32 $0x3, v16;
	v61 =	vadd.f32 $1.000000000e+00, v61;
	v0 =	vmul.f32 $1.442695020e+00, v0;
	[tilespmem:v56+s15+$0x0] =	vst.idx.add.f32.msk $0xffff, v32  }
0x29a: {  	v23 =	vadd.s32 $0x404, v23;
	v29 =	vadd.s32 $0x203, v16;
	[tilespmem:v40+s15+$0x0] =	vst.idx.add.f32.msk $0xffff, v4;
	v40 =	vmul.f32 v43, v53  }
0x29b: {  	[tilespmem:v15+s15+$0x0] =	vst.idx.add.f32.msk $0xffff, v35;
	v53 =	vadd.s32 $0x200, v8;
	(erf) = vpow2.f32 v0;
	v0 =	vadd.s32 $0x1, v16  }
0x29c: {  	v32 =	vadd.s32 $0x4, v16;
	v56 =	vadd.s32 $0x204, v16;
	v4 =	vand.u32 $0x7F, v8;
	[tilespmem:v46+s15+$0x0] =	vst.idx.add.f32.msk $0xffff, v26  }
0x29d: {  	v26 =	vand.u32 $0x780, v53;
	(erf) = vrcp.f32 v61;
	v61 =	vadd.s32 $0x403, v16;
	v16 =	vpop (erf);
	[tilespmem:v58+s15+$0x0] =	vst.idx.add.f32.msk $0xffff, v28  }
0x29e: {  	v4 =	vor.u32 v4, v26;
	[tilespmem:v8+s15+$0x0] =	vst.idx.add.f32.msk $0xffff, v40;
	v53 =	vpop (erf)  }
0x29f: {  	v46 =	vmul.f32 v35, v13;
	[tilespmem:v23+s15+$0x0] =	vst.idx.add.f32.msk $0xffff, v44;
	v33 =	vpop (erf)  }
0x2a0: {  	v14 =	vadd.f32 $1.000000000e+00, v16;
	[tilespmem:v0+s15+$0x0] =	vst.idx.add.f32.msk $0xffff, v24;
	v0 =	vadd.f32 $1.000000000e+00, v33  }
0x2a1: {  	v23 =	vmul.f32 v40, v10;
	[tilespmem:v2+s15+$0x0] =	vst.idx.add.f32.msk $0xffff, v46;
	v58 =	vadd.f32 $1.000000000e+00, v53  }
0x2a2: {  	v9 =	vmul.f32 v43, v52;
	(erf) = vrcp.f32 v14;
	v36 =	vpop (erf);
	[tilespmem:v45+s15+$0x0] =	vst.idx.add.f32.msk $0xffff, v25  }
0x2a3: {  	v52 =	vmul.f32 v50, v13;
	v35 =	vadd.s32 $0x403, v15;
	(erf) = vrcp.f32 v58;
	v45 =	vpop (erf);
	[tilespmem:v4+s15+$0x0] =	vst.idx.add.f32.msk $0xffff, v23  }
0x2a4: {  	v28 =	vmul.f32 v51, v13;
	v26 =	vadd.s32 $0x1, v15;
	[tilespmem:v34+s15+$0x0] =	vst.idx.add.f32.msk $0xffff, v37;
	(erf) = vrcp.f32 v0;
	v0 =	vpop (erf)  }
0x2a5: {  	v16 =	vmul.f32 v38, v13;
	v24 =	vadd.f32 $1.000000000e+00, v36;
	[tilespmem:v47+s15+$0x0] =	vst.idx.add.f32.msk $0xffff, v20;
	v0 =	vadd.f32 $1.000000000e+00, v0  }
0x2a6: {  	v53 =	vmul.f32 v5, v13;
	v36 =	vmul.f32 v52, v13;
	v33 =	vadd.f32 $1.000000000e+00, v45;
	[tilespmem:v49+s15+$0x0] =	vst.idx.add.f32.msk $0xffff, v22  }
0x2a7: {  	v25 =	vor.u32 $0x400, v15;
	v4 =	vadd.s32 $0x4, v15;
	(erf) = vrcp.f32 v24;
	v47 =	vpop (erf);
	[tilespmem:v11+s15+$0x0] =	vst.idx.add.f32.msk $0xffff, v41  }
0x2a8: {  	v34 =	vadd.s32 $0x201, v15;
	(erf) = vrcp.f32 v33;
	v24 =	vadd.f32 $1.000000000e+00, v47;
	[tilespmem:v48+s15+$0x0] =	vst.idx.add.f32.msk $0xffff, v19  }
0x2a9: {  	v20 =	vadd.s32 $0x401, v15;
	v22 =	vadd.s32 $0x2, v15;
	(erf) = vrcp.f32 v0;
	[tilespmem:v29+s15+$0x0] =	vst.idx.add.f32.msk $0xffff, v21;
	v0 =	vpop (erf)  }
0x2aa: {  	v11 =	vadd.s32 $0x202, v15;
	v33 =	vadd.s32 $0x402, v15;
	[tilespmem:v61+s15+$0x0] =	vst.idx.add.f32.msk $0xffff, v42;
	(erf) = vrcp.f32 v24;
	v49 =	vpop (erf)  }
0x2ab: {  	v19 =	vmul.f32 v46, v13;
	v46 =	vadd.s32 $0x404, v15;
	v29 =	vmul.f32 v28, v13;
	[tilespmem:v32+s15+$0x0] =	vst.idx.add.f32.msk $0xffff, v17;
	v58 =	vpop (erf)  }
0x2ac: {  	v17 =	vmul.f32 v53, v13;
	v0 =	vadd.f32 $1.000000000e+00, v0;
	[tilespmem:v56+s15+$0x0] =	vst.idx.add.f32.msk $0xffff, v18;
	v6 =	vmul.f32 v58, v6;
	v61 =	vpop (erf)  }
0x2ad: {  	v24 =	vadd.f32 $1.000000000e+00, v49;
	[tilespmem:v1+s15+$0x0] =	vst.idx.add.f32.msk $0xffff, v31;
	v1 =	vmul.f32 v16, v13;
	v41 =	vmul.f32 v61, v63;
	v42 =	vpop (erf)  }
0x2ae: {  	(erf) = vrcp.f32 v0;
	v6 =	vmax.f32 v6, $9.999999970e-07;
	v44 =	vmul.f32 v42, v62  }
0x2af: {  	(erf) = vrcp.f32 v24;
	v45 =	vpop (erf);
	v47 =	vmul.f32 v6, v6;
	v31 =	vmax.f32 v41, $9.999999970e-07  }
0x2b0: {  	v7 =	vmul.f32 v45, v7;
	v48 =	vpop (erf);
	v32 =	vmul.f32 v31, v31;
	v18 =	vmax.f32 v44, $9.999999970e-07  }
0x2b1: {  	v21 =	vadd.s32 $0x3, v15;
	[tilespmem:v25+s15+$0x0] =	vst.idx.add.f32.msk $0xffff, v19;
	v13 =	vmul.f32 v48, v59;
	v49 =	vpop (erf);
	v56 =	vmul.f32 v18, v18  }
0x2b2: {  	[tilespmem:v26+s15+$0x0] =	vst.idx.add.f32.msk $0xffff, v51;
	v2 =	vmax.f32 v7, $9.999999970e-07;
	v58 =	vmul.f32 v49, v60;
	v24 =	vmul.f32 v47, v47;
	v59 =	vpop (erf)  }
0x2b3: {  	[tilespmem:v34+s15+$0x0] =	vst.idx.add.f32.msk $0xffff, v28;
	v0 =	vadd.s32 $0x203, v15;
	v60 =	vmul.f32 v2, v2;
	v32 =	vmul.f32 v32, v32;
	v61 =	vpop (erf)  }
0x2b4: {  	[tilespmem:v20+s15+$0x0] =	vst.idx.add.f32.msk $0xffff, v29;
	v3 =	vmul.f32 v59, v3;
	v13 =	vmax.f32 v13, $9.999999970e-07;
	v62 =	vmul.f32 v61, v57  }
0x2b5: {  	v34 =	vadd.s32 $0x1, v8;
	[tilespmem:v22+s15+$0x0] =	vst.idx.add.f32.msk $0xffff, v50;
	v63 =	vmul.f32 v56, v56;
	v42 =	vmul.f32 v13, v13  }
0x2b6: {  	[tilespmem:v11+s15+$0x0] =	vst.idx.add.f32.msk $0xffff, v52;
	v7 =	vmax.f32 v58, $9.999999970e-07;
	v24 =	vmul.f32 v24, v6;
	v40 =	vmul.f32 v60, v60  }
0x2b7: {  	[tilespmem:v33+s15+$0x0] =	vst.idx.add.f32.msk $0xffff, v36;
	v48 =	vmul.f32 v7, v7;
	v22 =	vmul.f32 v32, v31;
	v3 =	vmax.f32 v3, $9.999999970e-07  }
0x2b8: {  	[tilespmem:v21+s15+$0x0] =	vst.idx.add.f32.msk $0xffff, v5;
	v44 =	vadd.s32 $0x204, v15;
	v41 =	vpop (erf);
	v11 =	vmul.f32 v63, v18;
	v56 =	vmul.f32 v3, v3  }
0x2b9: {  	v49 =	vor.u32 $0x400, v8;
	[tilespmem:v0+s15+$0x0] =	vst.idx.add.f32.msk $0xffff, v53;
	v45 =	vmul.f32 v41, v55;
	v47 =	vpop (erf);
	v2 =	vmul.f32 v40, v2  }
0x2ba: {  	[tilespmem:v35+s15+$0x0] =	vst.idx.add.f32.msk $0xffff, v17;
	v55 =	vmax.f32 v62, $9.999999970e-07;
	v20 =	vmul.f32 v48, v48;
	v51 =	vmul.f32 v47, v54  }
0x2bb: {  	v59 =	vadd.f32 v22, v24;
	v54 =	vmul.f32 v42, v42;
	v58 =	vmul.f32 v55, v55  }
0x2bc: {  	[tilespmem:v4+s15+$0x0] =	vst.idx.add.f32.msk $0xffff, v38;
	v19 =	vmul.f32 v56, v56;
	v57 =	vmax.f32 v45, $9.999999970e-07;
	v15 =	vmul.f32 v20, v7  }
0x2bd: {  	[tilespmem:v44+s15+$0x0] =	vst.idx.add.f32.msk $0xffff, v16;
	v21 =	vmul.f32 v54, v13;
	v0 =	vmax.f32 v51, $9.999999970e-07;
	v60 =	vmul.f32 v57, v57  }
0x2be: {  	v61 =	vadd.f32 v2, v11;
	v62 =	vmul.f32 v58, v58;
	v63 =	vmul.f32 v0, v0  }
0x2bf: {  	v3 =	vmul.f32 v19, v3;
	v25 =	vadd.f32 v59, v21;
	v7 =	vmul.f32 v60, v60  }
0x2c0: {  	v42 =	vld [tilespmem:$0x1FF50];
	v32 =	vadd.f32 v61, v15;
	v18 =	vmul.f32 v62, v55;
	v33 =	vmul.f32 v63, v63  }
0x2c1: {  	v36 =	vadd.s32 $0x201, v8;
	v25 =	vadd.f32 v25, v3;
	v5 =	vmul.f32 v7, v57  }
0x2c2: {  	v38 =	vadd.f32 v32, v18;
	v17 =	vmul.f32 v33, v0;
	v0 =	vmul.f32 v23, v10  }
0x2c3: {  	v14 =	vmul.f32 v9, v10;
	v40 =	vadd.s32 $0x401, v8;
	[tilespmem:v46+s15+$0x0] =	vst.idx.add.f32.msk $0xffff, v1;
	v41 =	vadd.f32 v25, v5  }
0x2c4: {  	v44 =	vadd.s32 $0x2, v8;
	v46 =	vadd.s32 $0x202, v8;
	v1 =	vadd.f32 v38, v17;
	[tilespmem:v49+s15+$0x0] =	vst.idx.add.f32.msk $0xffff, v0  }
0x2c5: {  	v47 =	vadd.s32 $0x402, v8;
	v20 =	vmul.f32 v43, v42;
	v0 =	vmax.f32 v41, $9.999999970e-07;
	[tilespmem:v34+s15+$0x0] =	vst.idx.add.f32.msk $0xffff, v9  }
0x2c6: {  	v45 =	vmul.f32 v14, v10;
	v1 =	vmax.f32 v1, $9.999999970e-07;
	(erf) = vrcp.f32 v0;
	[tilespmem:v36+s15+$0x0] =	vst.idx.add.f32.msk $0xffff, v14  }
0x2c7: {  	v0 =	vmul.f32 v20, v10;
	(erf) = vrcp.f32 v1;
	v1 =	vld [tilespmem:$0x1FF60]  }
0x2c8: {  	[tilespmem:v40+s15+$0x0] =	vst.idx.add.f32.msk $0xffff, v45  }
0x2c9: {  	v51 =	vmul.f32 v0, v10;
	[tilespmem:v44+s15+$0x0] =	vst.idx.add.f32.msk $0xffff, v20  }
0x2ca: {  	[tilespmem:v46+s15+$0x0] =	vst.idx.add.f32.msk $0xffff, v0  }
0x2cb: {  	[tilespmem:v47+s15+$0x0] =	vst.idx.add.f32.msk $0xffff, v51  }
0x2cc: {  	v14 =	vld [tilespmem:$0x1FF80]  }
0x2cd: {  	v48 =	vadd.s32 $0x3, v8  }
0x2ce: {  	v49 =	vadd.s32 $0x203, v8;
	v1 =	vmul.f32 v43, v1  }
0x2cf: {  	s19 =	sadd.s32 $0x20, s19;
	v50 =	vmul.f32 v43, v39;
	v52 =	vadd.s32 $0x403, v8  }
0x2d0: {  	v6 =	vld [tilespmem:s19+$0x0];
	v54 =	vadd.s32 $0x4, v8;
	v53 =	vmul.f32 v1, v10  }
0x2d1: {  	v13 =	vld [tilespmem:s19+$0xFFFFFFF0];
	v55 =	vadd.s32 $0x204, v8;
	v0 =	vmul.f32 v50, v10;
	v56 =	vmul.u32 $0x5, v14  }
0x2d2: {  	[tilespmem:v48+s15+$0x0] =	vst.idx.add.f32.msk $0xffff, v1;
	v1 =	vadd.s32 $0x404, v8;
	v8 =	vmul.u32 $0x5, v12;
	v57 =	vmul.f32 v53, v10  }
0x2d3: {  	v58 =	vmul.f32 v0, v10;
	[tilespmem:v49+s15+$0x0] =	vst.idx.add.f32.msk $0xffff, v53;
	v59 =	vadd.s32 $0x200, v56  }
0x2d4: {  	v61 =	vadd.s32 $0x200, v8;
	[tilespmem:v52+s15+$0x0] =	vst.idx.add.f32.msk $0xffff, v57;
	v60 =	vand.u32 $0x7F, v56;
	v7 =	vand.u32 $0x780, v59  }
0x2d5: {  	v63 =	vpop (erf);
	v62 =	vand.u32 $0x7F, v8;
	v14 =	vand.u32 $0x780, v61;
	[tilespmem:v54+s15+$0x0] =	vst.idx.add.f32.msk $0xffff, v50;
	v7 =	vor.u32 v60, v7  }
0x2d6: {  	v25 =	vpop (erf);
	v4 =	vor.u32 v62, v14;
	[tilespmem:v55+s15+$0x0] =	vst.idx.add.f32.msk $0xffff, v0;
	v0 =	vmul.f32 v63, v24  }
0x2d7: {  	v28 =	vor.u32 $0x400, v56;
	[tilespmem:v1+s15+$0x0] =	vst.idx.add.f32.msk $0xffff, v58;
	v1 =	vmul.f32 v25, v11  }
0x2d8: {  	v12 =	vor.u32 $0x400, v8;
	[tilespmem:v56+s15+$0x0] =	vst.idx.add.f32.msk $0xffff, v0;
	v0 =	vmul.f32 v0, v30  }
0x2d9: {  	v29 =	vadd.s32 $0x1, v56;
	[tilespmem:v8+s15+$0x0] =	vst.idx.add.f32.msk $0xffff, v1;
	v1 =	vmul.f32 v1, v27  }
0x2da: {  	v31 =	vmul.f32 v63, v22;
	v32 =	vadd.s32 $0x201, v56;
	[tilespmem:v7+s15+$0x0] =	vst.idx.add.f32.msk $0xffff, v0;
	v0 =	vmul.f32 v0, v30  }
0x2db: {  	v33 =	vadd.s32 $0x401, v56;
	[tilespmem:v4+s15+$0x0] =	vst.idx.add.f32.msk $0xffff, v1;
	v1 =	vmul.f32 v1, v27  }
0x2dc: {  	v34 =	vmul.f32 v31, v30;
	v35 =	vadd.s32 $0x2, v56;
	[tilespmem:v28+s15+$0x0] =	vst.idx.add.f32.msk $0xffff, v0  }
0x2dd: {  	v21 =	vmul.f32 v63, v21;
	v36 =	vadd.s32 $0x202, v56;
	[tilespmem:v12+s15+$0x0] =	vst.idx.add.f32.msk $0xffff, v1  }
0x2de: {  	v37 =	vmul.f32 v34, v30;
	v0 =	vadd.s32 $0x402, v56;
	[tilespmem:v29+s15+$0x0] =	vst.idx.add.f32.msk $0xffff, v31  }
0x2df: {  	v38 =	vmul.f32 v21, v30;
	v39 =	vadd.s32 $0x3, v56;
	[tilespmem:v32+s15+$0x0] =	vst.idx.add.f32.msk $0xffff, v34  }
0x2e0: {  	v3 =	vmul.f32 v63, v3;
	v40 =	vadd.s32 $0x203, v56;
	[tilespmem:v33+s15+$0x0] =	vst.idx.add.f32.msk $0xffff, v37  }
0x2e1: {  	v41 =	vadd.s32 $0x403, v56;
	v42 =	vmul.f32 v38, v30;
	[tilespmem:v35+s15+$0x0] =	vst.idx.add.f32.msk $0xffff, v21  }
0x2e2: {  	v43 =	vmul.f32 v3, v30;
	v44 =	vadd.s32 $0x4, v56;
	[tilespmem:v36+s15+$0x0] =	vst.idx.add.f32.msk $0xffff, v38  }
0x2e3: {  	v5 =	vmul.f32 v63, v5;
	v45 =	vadd.s32 $0x204, v56;
	[tilespmem:v0+s15+$0x0] =	vst.idx.add.f32.msk $0xffff, v42  }
0x2e4: {  	v46 =	vmul.f32 v43, v30;
	v0 =	vadd.s32 $0x404, v56;
	[tilespmem:v39+s15+$0x0] =	vst.idx.add.f32.msk $0xffff, v3  }
0x2e5: {  	v47 =	vadd.s32 $0x1, v8;
	v3 =	vmul.f32 v5, v30;
	[tilespmem:v40+s15+$0x0] =	vst.idx.add.f32.msk $0xffff, v43  }
0x2e6: {  	v49 =	vadd.s32 $0x201, v8;
	v2 =	vmul.f32 v25, v2;
	[tilespmem:v41+s15+$0x0] =	vst.idx.add.f32.msk $0xffff, v46  }
0x2e7: {  	v50 =	vadd.s32 $0x401, v8;
	v48 =	vmul.f32 v3, v30;
	[tilespmem:v44+s15+$0x0] =	vst.idx.add.f32.msk $0xffff, v5  }
0x2e8: {  	v51 =	vadd.s32 $0x2, v8;
	[tilespmem:v45+s15+$0x0] =	vst.idx.add.f32.msk $0xffff, v3;
	v3 =	vmul.f32 v2, v27  }
0x2e9: {  	v52 =	vadd.s32 $0x202, v8;
	[tilespmem:v0+s15+$0x0] =	vst.idx.add.f32.msk $0xffff, v48;
	v0 =	vmul.f32 v25, v15  }
0x2ea: {  	v53 =	vadd.s32 $0x402, v8;
	[tilespmem:v47+s15+$0x0] =	vst.idx.add.f32.msk $0xffff, v2;
	v1 =	vmul.f32 v3, v27  }
0x2eb: {  	v54 =	vadd.s32 $0x3, v8;
	[tilespmem:v49+s15+$0x0] =	vst.idx.add.f32.msk $0xffff, v3;
	v2 =	vmul.f32 v0, v27  }
0x2ec: {  	v55 =	vadd.s32 $0x203, v8;
	[tilespmem:v50+s15+$0x0] =	vst.idx.add.f32.msk $0xffff, v1  }
0x2ed: {  	v3 =	vmul.f32 v25, v18;
	v56 =	vmul.f32 v2, v27;
	[tilespmem:v51+s15+$0x0] =	vst.idx.add.f32.msk $0xffff, v0  }
0x2ee: {  	[tilespmem:v52+s15+$0x0] =	vst.idx.add.f32.msk $0xffff, v2  }
0x2ef: {  	v0 =	vmul.f32 v3, v27;
	[tilespmem:v53+s15+$0x0] =	vst.idx.add.f32.msk $0xffff, v56  }
0x2f0: {  	v57 =	vadd.s32 $0x403, v8;
	[tilespmem:v54+s15+$0x0] =	vst.idx.add.f32.msk $0xffff, v3  }
0x2f1: {  	v58 =	vadd.s32 $0x4, v8;
	[tilespmem:v55+s15+$0x0] =	vst.idx.add.f32.msk $0xffff, v0  }
0x2f2: {  	v59 =	vadd.s32 $0x204, v8;
	v2 =	vmul.f32 v25, v17;
	v61 =	vmul.f32 v0, v27;
	v0 =	vld [tilespmem:$0x1FF70]  }
0x2f3: {  	v1 =	vsub.f32 v30, v13;
	v3 =	vadd.s32 $0x404, v8  }
0x2f4: {  	v62 =	vmul.f32 v2, v27  }
0x2f5: {  	v60 =	vsub.f32 v27, v6;
	v1 =	vmul.f32 v1, v1;
	[tilespmem:v57+s15+$0x0] =	vst.idx.add.f32.msk $0xffff, v61  }
0x2f6: {  	v63 =	vmul.f32 v62, v27;
	[tilespmem:v58+s15+$0x0] =	vst.idx.add.f32.msk $0xffff, v2  }
0x2f7: {  	[tilespmem:v59+s15+$0x0] =	vst.idx.add.f32.msk $0xffff, v62;
	v0 =	vadd.f32 v1, v0;
	v1 =	vmul.f32 v60, v60  }
0x2f8: {  	[tilespmem:v3+s15+$0x0] =	vst.idx.add.f32.msk $0xffff, v63  }
0x2f9: {  	v0 =	vadd.f32 v1, v0;
	v1 =	vld [tilespmem:$0x1FFF0];
	_ =	sdelay $0x5  }
0x2fa: {  	s18 =	sadd.s32 $0x1, s18  }
0x2fb: {  	p0 =	sne.s32 s18, s8  }
.Ltmp3:
0x2fc: {  	[tilespmem:v1+s15+$0x0] =	vst.idx.add.f32.msk $0xffff, v0;
	(pc) =	sbr.rel @p0 .LBB2_1-.Ltmp3, $4  }
0x2fd: {  	[hbm4b:s7+s16] =	stream.strided.scatter [tilespmem:s15], [sflag:$0x3], $0x600, s11, s16, $0x38;
	[tilespmem:$0x1000] =	vst v63  }
0x2fe: {  	_ =	swait.ge [sflag:s17], $0x600  }
0x2ff: {  	[sflag:s17] =	ssyncset.done $0x0  }
0x300: {  	v0 =	vimm.f32 $0.0e+00;
	v1 =	vlaneseq.u32;
	[sflag:s17] =	ssyncadd.s32 $0xFFFFFA00  }
0x301: {  	_ =	sfence.sel $0x180000  }
0x302: {  	[bflag:$0x0] =	sbarrier.arrive $0xFFFF  }
0x303: {  	p0 =	sne.s32 s0, $0x0;
	_ =	strace $0x90000047  }
0x304: {  	s0 =	sadd.s32 @!p0 $0x100000, s1;
	[bflag:$0x2] =	sbarrier.arrive $0xFFFF  }
0x305: {  	[sflag:s0] =	ssyncadd.tile.s32 @!p0 $0x1;
	_ =	shalt  }
.Lfunc_end2:
_tile_overlayer_lowered:
.L_overlay_start_2:
0x306: {  	(tag) =	ssettag $0x2  }
0x307: {  	s0 =	rddreg [dreg:$0x0];
	s2 =	stileid.u32  }
0x308: {  	s1 =	rddreg [dreg:$0x1];
	p0 =	sne.s32 s2, $0x0  }
0x309: {  	s3 =	rddreg [dreg:$0x2];
	[bflag:$0x3] =	sbarrier.arrive $0xFFFF;
	s2 =	simm.s32 @!p0 $0x1C03  }
0x30a: {  	[timem:s3], [sflag:s2] =	dma.local @!p0 [hbm:s0], s1  }
0x30b: {  	s0 =	simm.s32 @!p0 $0x3  }
0x30c: {  	_ =	swait.ge @!p0 [sflag:s0], s1  }
0x30d: {  	s1 =	ssub.s32 @!p0 $0x0, s1;
	[sflag:s0] =	ssyncset.done @!p0 $0x0  }
0x30e: {  	[sflag:s0] =	ssyncadd.s32 @!p0 s1  }
0x30f: {  	[bflag:$0x3] =	sbarrier.arrive $0xFFFF  }
0x310: {  	_ =	shalt  }

</sc_bundles>
